<compile_context>
chip_gen: v7x
topology: tpu7x:2x2x1
jax: 0.10.2.dev20260603
libtpu: 0.0.44.dev20260713+nightly
codegen_flags: <defaults>
</compile_context>

<pallas_src>
import functools

import jax
import jax.numpy as jnp
from jax import lax
from jax.experimental import pallas as pl
from jax.experimental.pallas import tpu as pltpu
from jax.experimental.pallas import tpu_sc as plsc

_N = 10000
_E = 320000
_F = 128
_NC = 2
_NS = 16
_NW = _NC * _NS
_EW = _E // _NW
_C = 80
_NCHUNK = _EW // _C
_NPAD = 10240
_ZROWS = _NPAD // _NS


def _sc_agg_body(with_counts, *refs):
    if with_counts:
        (src_hbm, dst_hbm, xa_hbm, zero_hbm, ones_hbm, out_hbm, outc_hbm,
         src_v, dst_v, rows0, rows1, sem0, sem1, acc_sh) = refs
    else:
        (src_hbm, dst_hbm, xa_hbm, zero_hbm, out_hbm,
         src_v, dst_v, rows0, rows1, sem0, sem1, acc_sh) = refs
    c = lax.axis_index("c")
    s = lax.axis_index("s")
    w = c * _NS + s

    pltpu.sync_copy(src_hbm.at[w], src_v)
    pltpu.async_copy(xa_hbm.at[src_v.at[pl.ds(0, _C)]], rows0, sem0)
    pltpu.async_copy(xa_hbm.at[src_v.at[pl.ds(_C, _C)]], rows1, sem1)
    pltpu.sync_copy(zero_hbm, acc_sh.at[pl.ds(s * _ZROWS, _ZROWS)])
    pltpu.sync_copy(dst_hbm.at[w], dst_v)
    plsc.subcore_barrier()

    def step2(jj, carry):
        j0 = jj * 2
        pltpu.make_async_copy(xa_hbm.at[src_v.at[pl.ds(j0 * _C, _C)]], rows0, sem0).wait()
        pltpu.sync_copy(rows0, acc_sh.at[dst_v.at[j0]], add=True)
        pltpu.async_copy(xa_hbm.at[src_v.at[pl.ds((j0 + 2) * _C, _C)]], rows0, sem0)
        pltpu.make_async_copy(xa_hbm.at[src_v.at[pl.ds((j0 + 1) * _C, _C)]], rows1, sem1).wait()
        pltpu.sync_copy(rows1, acc_sh.at[dst_v.at[j0 + 1]], add=True)

        @pl.when(jj < _NCHUNK // 2 - 1)
        def _():
            pltpu.async_copy(xa_hbm.at[src_v.at[pl.ds((j0 + 3) * _C, _C)]], rows1, sem1)

        return carry

    lax.fori_loop(0, _NCHUNK // 2, step2, 0)
    pltpu.make_async_copy(xa_hbm.at[src_v.at[pl.ds((_NCHUNK - 1) * _C, _C)]], rows0, sem0).wait()
    pltpu.sync_copy(rows0, acc_sh.at[dst_v.at[_NCHUNK - 1]], add=True)

    plsc.subcore_barrier()
    pltpu.sync_copy(acc_sh.at[pl.ds(s * _ZROWS, _ZROWS)],
                    out_hbm.at[c, pl.ds(s * _ZROWS, _ZROWS)])

    if with_counts:
        plsc.subcore_barrier()
        pltpu.sync_copy(zero_hbm, acc_sh.at[pl.ds(s * _ZROWS, _ZROWS)])
        pltpu.sync_copy(ones_hbm, rows0)
        plsc.subcore_barrier()

        def cstep(j, carry):
            pltpu.sync_copy(rows0, acc_sh.at[dst_v.at[j]], add=True)
            return carry

        lax.fori_loop(0, _NCHUNK, cstep, 0)
        plsc.subcore_barrier()
        pltpu.sync_copy(acc_sh.at[pl.ds(s * _ZROWS, _ZROWS)],
                        outc_hbm.at[c, pl.ds(s * _ZROWS, _ZROWS)])


def _sc_agg(xa, src2, dst3, zeros, ones):
    with_counts = ones is not None
    mesh = plsc.VectorSubcoreMesh(core_axis_name="c", subcore_axis_name="s")
    feat_type = jax.ShapeDtypeStruct((_NC, _NPAD, _F), jnp.float32)
    out_type = (feat_type, feat_type) if with_counts else feat_type
    fn = pl.kernel(
        functools.partial(_sc_agg_body, with_counts),
        out_type=out_type,
        mesh=mesh,
        scratch_types=[
            pltpu.VMEM((_EW,), jnp.int32),
            pltpu.VMEM((_NCHUNK, _C), jnp.int32),
            pltpu.VMEM((_C, _F), jnp.float32),
            pltpu.VMEM((_C, _F), jnp.float32),
            pltpu.SemaphoreType.DMA,
            pltpu.SemaphoreType.DMA,
            pltpu.VMEM_SHARED((_NPAD, _F), jnp.float32),
        ],
    )
    if with_counts:
        return fn(src2, dst3, xa, zeros, ones)
    return fn(src2, dst3, xa, zeros)


def _tc1_body(p_ref, cnt_ref, x_ref, w1l_ref, b1l_ref, w1r_ref, g_ref, b_ref,
              h_ref):
    p = p_ref[0] + p_ref[1]
    cnt = (cnt_ref[0] + cnt_ref[1])[:_N]
    mean = p[:_N] / jnp.maximum(cnt, 1.0)
    out = (jnp.dot(mean, w1l_ref[...], preferred_element_type=jnp.float32)
           + b1l_ref[...]
           + jnp.dot(x_ref[...], w1r_ref[...], preferred_element_type=jnp.float32))
    nrm = jnp.sqrt(jnp.sum(out * out, axis=-1, keepdims=True))
    out = out / jnp.maximum(nrm, 1e-12)
    h = jnp.maximum(out, 0.0)
    mu = jnp.mean(h, axis=0, keepdims=True)
    var = jnp.mean((h - mu) ** 2, axis=0, keepdims=True)
    h_ref[...] = g_ref[...] * (h - mu) / jnp.sqrt(var + 1e-5) + b_ref[...]


def _tc_layer1(p, cnt, x, w1l, b1l, w1r, gamma, beta):
    return pl.pallas_call(
        _tc1_body,
        out_shape=jax.ShapeDtypeStruct((_N, _F), jnp.float32),
    )(p, cnt, x, w1l, b1l, w1r, gamma, beta)


def _tc2_body(p_ref, cnt_ref, h_ref, w2l_ref, b2l_ref, w2r_ref, o_ref):
    p = p_ref[0] + p_ref[1]
    cnt = (cnt_ref[0] + cnt_ref[1])[:_N]
    mean = p[:_N] / jnp.maximum(cnt, 1.0)
    out = (jnp.dot(mean, w2l_ref[...], preferred_element_type=jnp.float32)
           + b2l_ref[...]
           + jnp.dot(h_ref[...], w2r_ref[...], preferred_element_type=jnp.float32))
    nrm = jnp.sqrt(jnp.sum(out * out, axis=-1, keepdims=True))
    o_ref[...] = out / jnp.maximum(nrm, 1e-12)


def _tc_layer2(p, cnt, h, w2l, b2l, w2r):
    return pl.pallas_call(
        _tc2_body,
        out_shape=jax.ShapeDtypeStruct((_N, _F), jnp.float32),
    )(p, cnt, h, w2l, b2l, w2r)


def kernel(x, edge_index, W1l, b1l, W1r, W2l, b2l, W2r, gamma, beta):
    src3 = edge_index[0].reshape(_NW, _EW)
    dst3 = edge_index[1].reshape(_NW, _NCHUNK, _C)
    zeros = jnp.zeros((_ZROWS, _F), jnp.float32)
    ones = jnp.ones((_C, _F), jnp.float32)

    p1, cnt_p = _sc_agg(x, src3, dst3, zeros, ones)
    h = _tc_layer1(p1, cnt_p, x, W1l, b1l.reshape(1, _F), W1r,
                   gamma.reshape(1, _F), beta.reshape(1, _F))
    p2 = _sc_agg(h, src3, dst3, zeros, None)
    return _tc_layer2(p2, cnt_p, h, W2l, b2l.reshape(1, _F), W2r)

# --- scband reference (transcript-rebuilt; emitter-appended) ---
"""Pipeline reference for scband-sage-24842090840540 (READ-ONLY COPY).

The authoritative reference and input builder live on the scoring server;
editing this copy changes nothing except your own understanding.
"""

import jax, jax.numpy as jnp
import numpy as np

N = 10000
E = 320000
NFEAT = 128
NHID = 128


def setup_inputs(seed: int = 0) -> dict:
    key = jax.random.key(seed)
    ks = jax.random.split(key, 12)
    x = jax.random.normal(ks[0], (N, NFEAT), dtype=jnp.float32)
    edge_index = jax.random.randint(ks[1], (2, E), 0, N, dtype=jnp.int32)
    # Xavier-uniform-like init for the SAGEConv linear layers
    def xavier(k, fan_in, fan_out):
        a = np.sqrt(6.0 / (fan_in + fan_out))
        return jax.random.uniform(k, (fan_in, fan_out), dtype=jnp.float32, minval=-a, maxval=a)
    W1l = xavier(ks[2], NFEAT, NHID)   # lin_l of conv1 (neighbor aggregation branch)
    b1l = jnp.zeros((NHID,), dtype=jnp.float32)
    W1r = xavier(ks[3], NFEAT, NHID)   # lin_r of conv1 (root branch, no bias)
    W2l = xavier(ks[4], NHID, NHID)
    b2l = jnp.zeros((NHID,), dtype=jnp.float32)
    W2r = xavier(ks[5], NHID, NHID)
    gamma = jnp.ones((NHID,), dtype=jnp.float32)   # BatchNorm1d weight
    beta = jnp.zeros((NHID,), dtype=jnp.float32)   # BatchNorm1d bias
    return {"x": x, "edge_index": edge_index,
            "W1l": W1l, "b1l": b1l, "W1r": W1r,
            "W2l": W2l, "b2l": b2l, "W2r": W2r,
            "gamma": gamma, "beta": beta}


def _sage_conv(x, edge_index, Wl, bl, Wr):
    # PyG SAGEConv with aggr='mean', root_weight=True, normalize=True
    src = edge_index[0]
    dst = edge_index[1]
    msgs = jnp.take(x, src, axis=0)                       # gather x_j
    s = jax.ops.segment_sum(msgs, dst, num_segments=N)    # scatter-add to dst
    cnt = jax.ops.segment_sum(jnp.ones((edge_index.shape[1], 1), x.dtype), dst, num_segments=N)
    mean = s / jnp.maximum(cnt, 1.0)
    out = mean @ Wl + bl + x @ Wr
    # F.normalize(out, p=2, dim=-1)
    nrm = jnp.sqrt(jnp.sum(out * out, axis=-1, keepdims=True))
    out = out / jnp.maximum(nrm, 1e-12)
    return out


def _batchnorm(h, gamma, beta, eps=1e-5):
    # BatchNorm1d, training-mode batch statistics (deterministic)
    mu = jnp.mean(h, axis=0)
    var = jnp.mean((h - mu) ** 2, axis=0)
    return gamma * (h - mu) / jnp.sqrt(var + eps) + beta


def reference(x, edge_index, W1l, b1l, W1r, W2l, b2l, W2r, gamma, beta):
    h = _sage_conv(x, edge_index, W1l, b1l, W1r)
    h = jax.nn.relu(h)
    h = _batchnorm(h, gamma, beta)
    # Dropout is identity in deterministic/eval reference
    h = _sage_conv(h, edge_index, W2l, b2l, W2r)
    return h

if __name__ == "__main__":
    import jax
    _d = setup_inputs()
    print(jax.jit(kernel)(*tuple(_d.values())))

</pallas_src>

<mosaic_0001>
#map = affine_map<(d0, d1) -> (0, 0)>
#map1 = affine_map<(d0, d1) -> (0, 0, 0)>
module attributes {stable_mosaic.version = 14 : i64} {
  func.func @_sc_agg_body(%arg0: i32, %arg1: i32, %arg2: memref<32x10000xi32, #tpu.memory_space<hbm>>, %arg3: memref<32x125x80xi32, #tpu.memory_space<hbm>>, %arg4: memref<10000x128xf32, #tpu.memory_space<hbm>>, %arg5: memref<640x128xf32, #tpu.memory_space<hbm>>, %arg6: memref<2x10240x128xf32, #tpu.memory_space<hbm>>, %arg7: memref<10000xi32, #tpu.memory_space<vmem>>, %arg8: memref<125x80xi32, #tpu.memory_space<vmem>>, %arg9: memref<80x128xf32, #tpu.memory_space<vmem>>, %arg10: memref<80x128xf32, #tpu.memory_space<vmem>>, %arg11: memref<!tpu.dma_semaphore, #tpu.memory_space<semaphore_mem>>, %arg12: memref<!tpu.dma_semaphore, #tpu.memory_space<semaphore_mem>>, %arg13: memref<10240x128xf32, #tpu.memory_space<vmem_shared>>) attributes {dimension_semantics = [#tpu.dimension_semantics<core_parallel>, #tpu.dimension_semantics<subcore_parallel>], iteration_bounds = array<i64: 2, 16>, scalar_prefetch = 0 : i64, scratch_operands = 7 : i64, tpu.core_type = #tpu.core_type<sc_vector_subcore>, window_params = [{transform_indices = #map}, {transform_indices = #map1}, {transform_indices = #map}, {transform_indices = #map}, {transform_indices = #map1}]} {
    %mul3A = arith.constant 16 : i32
    %mul3A_0 = arith.muli %arg0, %mul3A : i32
    %add3A = arith.addi %mul3A_0, %arg1 : i32
    "tpu.region"() ({
      %run_scoped3A_26 = tpu.sem_alloc : memref<!tpu.dma_semaphore, #tpu.memory_space<semaphore_mem>>
      %dma_start3A_27 = arith.constant 0 : i32
      %dma_start3A_28 = tpu.memref_slice %arg2[%add3A, %dma_start3A_27] : memref<32x10000xi32, #tpu.memory_space<hbm>> -> memref<1x10000xi32, #tpu.memory_space<hbm>>
      %dma_start3A_29 = tpu.memref_squeeze %dma_start3A_28 : memref<1x10000xi32, #tpu.memory_space<hbm>> -> memref<10000xi32, #tpu.memory_space<hbm>>
      %dma_start3A_30 = arith.constant 0 : i32
      %dma_start3A_31 = tpu.memref_slice %arg2[%add3A, %dma_start3A_30] : memref<32x10000xi32, #tpu.memory_space<hbm>> -> memref<1x10000xi32, #tpu.memory_space<hbm>>
      %dma_start3A_32 = tpu.memref_squeeze %dma_start3A_31 : memref<1x10000xi32, #tpu.memory_space<hbm>> -> memref<10000xi32, #tpu.memory_space<hbm>>
      tpu.enqueue_dma source(%dma_start3A_32 : memref<10000xi32, #tpu.memory_space<hbm>>) target(%arg7 : memref<10000xi32, #tpu.memory_space<vmem>>) target_semaphore(%run_scoped3A_26 : memref<!tpu.dma_semaphore, #tpu.memory_space<semaphore_mem>>)
      %dma_wait3A_33 = arith.constant 0 : i32
      %dma_wait3A_34 = tpu.memref_slice %arg2[%add3A, %dma_wait3A_33] : memref<32x10000xi32, #tpu.memory_space<hbm>> -> memref<1x10000xi32, #tpu.memory_space<hbm>>
      %dma_wait3A_35 = tpu.memref_squeeze %dma_wait3A_34 : memref<1x10000xi32, #tpu.memory_space<hbm>> -> memref<10000xi32, #tpu.memory_space<hbm>>
      %dma_wait3A_36 = arith.constant 0 : i32
      %dma_wait3A_37 = tpu.memref_slice %arg2[%add3A, %dma_wait3A_36] : memref<32x10000xi32, #tpu.memory_space<hbm>> -> memref<1x10000xi32, #tpu.memory_space<hbm>>
      %dma_wait3A_38 = tpu.memref_squeeze %dma_wait3A_37 : memref<1x10000xi32, #tpu.memory_space<hbm>> -> memref<10000xi32, #tpu.memory_space<hbm>>
      tpu.wait_dma2 semaphore(%run_scoped3A_26 : memref<!tpu.dma_semaphore, #tpu.memory_space<semaphore_mem>>) src(%dma_wait3A_38 : memref<10000xi32, #tpu.memory_space<hbm>>) dst(%arg7 : memref<10000xi32, #tpu.memory_space<vmem>>)
      tpu.yield
    }) : () -> ()
    %dma_start3A = arith.constant 0 : i32
    %dma_start3A_1 = tpu.memref_slice %arg7[%dma_start3A] : memref<10000xi32, #tpu.memory_space<vmem>> -> memref<80xi32, #tpu.memory_space<vmem>>
    %dma_start3A_2 = arith.constant 0 : i32
    %dma_start3A_3 = arith.constant 0 : i32
    %dma_start3A_4 = tpu.memref_slice %arg4[%dma_start3A_2, %dma_start3A_3] : memref<10000x128xf32, #tpu.memory_space<hbm>> -> memref<10000x128xf32, #tpu.memory_space<hbm>>
    tpu.enqueue_indirect_dma source(%dma_start3A_4 : memref<10000x128xf32, #tpu.memory_space<hbm>>) target(%arg9 : memref<80x128xf32, #tpu.memory_space<vmem>>) offsets(%dma_start3A_1 : memref<80xi32, #tpu.memory_space<vmem>>) semaphore(%arg11 : memref<!tpu.dma_semaphore, #tpu.memory_space<semaphore_mem>>)
    %dma_start3A_5 = arith.constant 80 : i32
    %dma_start3A_6 = tpu.memref_slice %arg7[%dma_start3A_5] : memref<10000xi32, #tpu.memory_space<vmem>> -> memref<80xi32, #tpu.memory_space<vmem>>
    %dma_start3A_7 = arith.constant 0 : i32
    %dma_start3A_8 = arith.constant 0 : i32
    %dma_start3A_9 = tpu.memref_slice %arg4[%dma_start3A_7, %dma_start3A_8] : memref<10000x128xf32, #tpu.memory_space<hbm>> -> memref<10000x128xf32, #tpu.memory_space<hbm>>
    tpu.enqueue_indirect_dma source(%dma_start3A_9 : memref<10000x128xf32, #tpu.memory_space<hbm>>) target(%arg10 : memref<80x128xf32, #tpu.memory_space<vmem>>) offsets(%dma_start3A_6 : memref<80xi32, #tpu.memory_space<vmem>>) semaphore(%arg12 : memref<!tpu.dma_semaphore, #tpu.memory_space<semaphore_mem>>)
    %mul3A_10 = arith.constant 640 : i32
    %mul3A_11 = arith.muli %arg1, %mul3A_10 : i32
    "tpu.region"() ({
      %run_scoped3A_26 = tpu.sem_alloc : memref<!tpu.dma_semaphore, #tpu.memory_space<semaphore_mem>>
      %dma_start3A_27 = arith.constant 0 : i32
      %dma_start3A_28 = tpu.memref_slice %arg13[%mul3A_11, %dma_start3A_27] : memref<10240x128xf32, #tpu.memory_space<vmem_shared>> -> memref<640x128xf32, #tpu.memory_space<vmem_shared>>
      tpu.enqueue_dma source(%arg5 : memref<640x128xf32, #tpu.memory_space<hbm>>) target(%dma_start3A_28 : memref<640x128xf32, #tpu.memory_space<vmem_shared>>) target_semaphore(%run_scoped3A_26 : memref<!tpu.dma_semaphore, #tpu.memory_space<semaphore_mem>>)
      %dma_wait3A_29 = arith.constant 0 : i32
      %dma_wait3A_30 = tpu.memref_slice %arg13[%mul3A_11, %dma_wait3A_29] : memref<10240x128xf32, #tpu.memory_space<vmem_shared>> -> memref<640x128xf32, #tpu.memory_space<vmem_shared>>
      tpu.wait_dma2 semaphore(%run_scoped3A_26 : memref<!tpu.dma_semaphore, #tpu.memory_space<semaphore_mem>>) src(%arg5 : memref<640x128xf32, #tpu.memory_space<hbm>>) dst(%dma_wait3A_30 : memref<640x128xf32, #tpu.memory_space<vmem_shared>>)
      tpu.yield
    }) : () -> ()
    "tpu.region"() ({
      %run_scoped3A_26 = tpu.sem_alloc : memref<!tpu.dma_semaphore, #tpu.memory_space<semaphore_mem>>
      %dma_start3A_27 = arith.constant 0 : i32
      %dma_start3A_28 = arith.constant 0 : i32
      %dma_start3A_29 = tpu.memref_slice %arg3[%add3A, %dma_start3A_27, %dma_start3A_28] : memref<32x125x80xi32, #tpu.memory_space<hbm>> -> memref<1x125x80xi32, #tpu.memory_space<hbm>>
      %dma_start3A_30 = tpu.memref_squeeze %dma_start3A_29 : memref<1x125x80xi32, #tpu.memory_space<hbm>> -> memref<125x80xi32, #tpu.memory_space<hbm>>
      %dma_start3A_31 = arith.constant 0 : i32
      %dma_start3A_32 = arith.constant 0 : i32
      %dma_start3A_33 = tpu.memref_slice %arg3[%add3A, %dma_start3A_31, %dma_start3A_32] : memref<32x125x80xi32, #tpu.memory_space<hbm>> -> memref<1x125x80xi32, #tpu.memory_space<hbm>>
      %dma_start3A_34 = tpu.memref_squeeze %dma_start3A_33 : memref<1x125x80xi32, #tpu.memory_space<hbm>> -> memref<125x80xi32, #tpu.memory_space<hbm>>
      tpu.enqueue_dma source(%dma_start3A_34 : memref<125x80xi32, #tpu.memory_space<hbm>>) target(%arg8 : memref<125x80xi32, #tpu.memory_space<vmem>>) target_semaphore(%run_scoped3A_26 : memref<!tpu.dma_semaphore, #tpu.memory_space<semaphore_mem>>)
      %dma_wait3A_35 = arith.constant 0 : i32
      %dma_wait3A_36 = arith.constant 0 : i32
      %dma_wait3A_37 = tpu.memref_slice %arg3[%add3A, %dma_wait3A_35, %dma_wait3A_36] : memref<32x125x80xi32, #tpu.memory_space<hbm>> -> memref<1x125x80xi32, #tpu.memory_space<hbm>>
      %dma_wait3A_38 = tpu.memref_squeeze %dma_wait3A_37 : memref<1x125x80xi32, #tpu.memory_space<hbm>> -> memref<125x80xi32, #tpu.memory_space<hbm>>
      %dma_wait3A_39 = arith.constant 0 : i32
      %dma_wait3A_40 = arith.constant 0 : i32
      %dma_wait3A_41 = tpu.memref_slice %arg3[%add3A, %dma_wait3A_39, %dma_wait3A_40] : memref<32x125x80xi32, #tpu.memory_space<hbm>> -> memref<1x125x80xi32, #tpu.memory_space<hbm>>
      %dma_wait3A_42 = tpu.memref_squeeze %dma_wait3A_41 : memref<1x125x80xi32, #tpu.memory_space<hbm>> -> memref<125x80xi32, #tpu.memory_space<hbm>>
      tpu.wait_dma2 semaphore(%run_scoped3A_26 : memref<!tpu.dma_semaphore, #tpu.memory_space<semaphore_mem>>) src(%dma_wait3A_42 : memref<125x80xi32, #tpu.memory_space<hbm>>) dst(%arg8 : memref<125x80xi32, #tpu.memory_space<vmem>>)
      tpu.yield
    }) : () -> ()
    %barrier3A = arith.constant 0 : index
    tpu.barrier barrier_id(%barrier3A)
    %scan3A = arith.constant 0 : i32
    %scan3A_12 = arith.constant 0 : i32
    %scan3A_13 = arith.constant 62 : i32
    %scan3A_14 = arith.addi %scan3A_12, %scan3A_13 : i32
    %scan3A_15 = arith.constant 1 : i32
    scf.for %scan3A_26 = %scan3A_12 to %scan3A_14 step %scan3A_15  : i32 {
      %mul3A_27 = arith.constant 2 : i32
      %mul3A_28 = arith.muli %scan3A_26, %mul3A_27 : i32
      %mul3A_29 = arith.constant 80 : i32
      %mul3A_30 = arith.muli %mul3A_28, %mul3A_29 : i32
      %dma_wait3A_31 = tpu.memref_slice %arg7[%mul3A_30] : memref<10000xi32, #tpu.memory_space<vmem>> -> memref<80xi32, #tpu.memory_space<vmem>>
      %dma_wait3A_32 = arith.constant 0 : i32
      %dma_wait3A_33 = arith.constant 0 : i32
      %dma_wait3A_34 = tpu.memref_slice %arg4[%dma_wait3A_32, %dma_wait3A_33] : memref<10000x128xf32, #tpu.memory_space<hbm>> -> memref<10000x128xf32, #tpu.memory_space<hbm>>
      tpu.wait_indirect_dma semaphore(%arg11 : memref<!tpu.dma_semaphore, #tpu.memory_space<semaphore_mem>>) src(%dma_wait3A_34 : memref<10000x128xf32, #tpu.memory_space<hbm>>) dst(%arg9 : memref<80x128xf32, #tpu.memory_space<vmem>>)
      "tpu.region"() ({
        %run_scoped3A_55 = tpu.sem_alloc : memref<!tpu.dma_semaphore, #tpu.memory_space<semaphore_mem>>
        %dma_start3A_56 = arith.constant 0 : i32
        %dma_start3A_57 = tpu.memref_slice %arg8[%mul3A_28, %dma_start3A_56] : memref<125x80xi32, #tpu.memory_space<vmem>> -> memref<1x80xi32, #tpu.memory_space<vmem>>
        %dma_start3A_58 = tpu.memref_squeeze %dma_start3A_57 : memref<1x80xi32, #tpu.memory_space<vmem>> -> memref<80xi32, #tpu.memory_space<vmem>>
        %dma_start3A_59 = arith.constant 0 : i32
        %dma_start3A_60 = arith.constant 0 : i32
        %dma_start3A_61 = tpu.memref_slice %arg13[%dma_start3A_59, %dma_start3A_60] : memref<10240x128xf32, #tpu.memory_space<vmem_shared>> -> memref<10240x128xf32, #tpu.memory_space<vmem_shared>>
        tpu.enqueue_indirect_dma source(%arg9 : memref<80x128xf32, #tpu.memory_space<vmem>>) target(%dma_start3A_61 : memref<10240x128xf32, #tpu.memory_space<vmem_shared>>) offsets(%dma_start3A_58 : memref<80xi32, #tpu.memory_space<vmem>>) semaphore(%run_scoped3A_55 : memref<!tpu.dma_semaphore, #tpu.memory_space<semaphore_mem>>) {add = true}
        %dma_wait3A_62 = arith.constant 0 : i32
        %dma_wait3A_63 = tpu.memref_slice %arg8[%mul3A_28, %dma_wait3A_62] : memref<125x80xi32, #tpu.memory_space<vmem>> -> memref<1x80xi32, #tpu.memory_space<vmem>>
        %dma_wait3A_64 = tpu.memref_squeeze %dma_wait3A_63 : memref<1x80xi32, #tpu.memory_space<vmem>> -> memref<80xi32, #tpu.memory_space<vmem>>
        %dma_wait3A_65 = arith.constant 0 : i32
        %dma_wait3A_66 = arith.constant 0 : i32
        %dma_wait3A_67 = tpu.memref_slice %arg13[%dma_wait3A_65, %dma_wait3A_66] : memref<10240x128xf32, #tpu.memory_space<vmem_shared>> -> memref<10240x128xf32, #tpu.memory_space<vmem_shared>>
        tpu.wait_indirect_dma semaphore(%run_scoped3A_55 : memref<!tpu.dma_semaphore, #tpu.memory_space<semaphore_mem>>) src(%arg9 : memref<80x128xf32, #tpu.memory_space<vmem>>) dst(%dma_wait3A_67 : memref<10240x128xf32, #tpu.memory_space<vmem_shared>>)
        tpu.yield
      }) : () -> ()
      %add3A_35 = arith.constant 2 : i32
      %add3A_36 = arith.addi %mul3A_28, %add3A_35 : i32
      %mul3A_37 = arith.constant 80 : i32
      %mul3A_38 = arith.muli %add3A_36, %mul3A_37 : i32
      %dma_start3A_39 = tpu.memref_slice %arg7[%mul3A_38] : memref<10000xi32, #tpu.memory_space<vmem>> -> memref<80xi32, #tpu.memory_space<vmem>>
      %dma_start3A_40 = arith.constant 0 : i32
      %dma_start3A_41 = arith.constant 0 : i32
      %dma_start3A_42 = tpu.memref_slice %arg4[%dma_start3A_40, %dma_start3A_41] : memref<10000x128xf32, #tpu.memory_space<hbm>> -> memref<10000x128xf32, #tpu.memory_space<hbm>>
      tpu.enqueue_indirect_dma source(%dma_start3A_42 : memref<10000x128xf32, #tpu.memory_space<hbm>>) target(%arg9 : memref<80x128xf32, #tpu.memory_space<vmem>>) offsets(%dma_start3A_39 : memref<80xi32, #tpu.memory_space<vmem>>) semaphore(%arg11 : memref<!tpu.dma_semaphore, #tpu.memory_space<semaphore_mem>>)
      %add3A_43 = arith.constant 1 : i32
      %add3A_44 = arith.addi %mul3A_28, %add3A_43 : i32
      %mul3A_45 = arith.constant 80 : i32
      %mul3A_46 = arith.muli %add3A_44, %mul3A_45 : i32
      %dma_wait3A_47 = tpu.memref_slice %arg7[%mul3A_46] : memref<10000xi32, #tpu.memory_space<vmem>> -> memref<80xi32, #tpu.memory_space<vmem>>
      %dma_wait3A_48 = arith.constant 0 : i32
      %dma_wait3A_49 = arith.constant 0 : i32
      %dma_wait3A_50 = tpu.memref_slice %arg4[%dma_wait3A_48, %dma_wait3A_49] : memref<10000x128xf32, #tpu.memory_space<hbm>> -> memref<10000x128xf32, #tpu.memory_space<hbm>>
      tpu.wait_indirect_dma semaphore(%arg12 : memref<!tpu.dma_semaphore, #tpu.memory_space<semaphore_mem>>) src(%dma_wait3A_50 : memref<10000x128xf32, #tpu.memory_space<hbm>>) dst(%arg10 : memref<80x128xf32, #tpu.memory_space<vmem>>)
      %add3A_51 = arith.constant 1 : i32
      %add3A_52 = arith.addi %mul3A_28, %add3A_51 : i32
      "tpu.region"() ({
        %run_scoped3A_55 = tpu.sem_alloc : memref<!tpu.dma_semaphore, #tpu.memory_space<semaphore_mem>>
        %dma_start3A_56 = arith.constant 0 : i32
        %dma_start3A_57 = tpu.memref_slice %arg8[%add3A_52, %dma_start3A_56] : memref<125x80xi32, #tpu.memory_space<vmem>> -> memref<1x80xi32, #tpu.memory_space<vmem>>
        %dma_start3A_58 = tpu.memref_squeeze %dma_start3A_57 : memref<1x80xi32, #tpu.memory_space<vmem>> -> memref<80xi32, #tpu.memory_space<vmem>>
        %dma_start3A_59 = arith.constant 0 : i32
        %dma_start3A_60 = arith.constant 0 : i32
        %dma_start3A_61 = tpu.memref_slice %arg13[%dma_start3A_59, %dma_start3A_60] : memref<10240x128xf32, #tpu.memory_space<vmem_shared>> -> memref<10240x128xf32, #tpu.memory_space<vmem_shared>>
        tpu.enqueue_indirect_dma source(%arg10 : memref<80x128xf32, #tpu.memory_space<vmem>>) target(%dma_start3A_61 : memref<10240x128xf32, #tpu.memory_space<vmem_shared>>) offsets(%dma_start3A_58 : memref<80xi32, #tpu.memory_space<vmem>>) semaphore(%run_scoped3A_55 : memref<!tpu.dma_semaphore, #tpu.memory_space<semaphore_mem>>) {add = true}
        %dma_wait3A_62 = arith.constant 0 : i32
        %dma_wait3A_63 = tpu.memref_slice %arg8[%add3A_52, %dma_wait3A_62] : memref<125x80xi32, #tpu.memory_space<vmem>> -> memref<1x80xi32, #tpu.memory_space<vmem>>
        %dma_wait3A_64 = tpu.memref_squeeze %dma_wait3A_63 : memref<1x80xi32, #tpu.memory_space<vmem>> -> memref<80xi32, #tpu.memory_space<vmem>>
        %dma_wait3A_65 = arith.constant 0 : i32
        %dma_wait3A_66 = arith.constant 0 : i32
        %dma_wait3A_67 = tpu.memref_slice %arg13[%dma_wait3A_65, %dma_wait3A_66] : memref<10240x128xf32, #tpu.memory_space<vmem_shared>> -> memref<10240x128xf32, #tpu.memory_space<vmem_shared>>
        tpu.wait_indirect_dma semaphore(%run_scoped3A_55 : memref<!tpu.dma_semaphore, #tpu.memory_space<semaphore_mem>>) src(%arg10 : memref<80x128xf32, #tpu.memory_space<vmem>>) dst(%dma_wait3A_67 : memref<10240x128xf32, #tpu.memory_space<vmem_shared>>)
        tpu.yield
      }) : () -> ()
      %lt3A = arith.constant 61 : i32
      %lt3A_53 = arith.cmpi slt, %scan3A_26, %lt3A : i32
      %convert_element_type3A = arith.extui %lt3A_53 : i1 to i32
      %cond3A = arith.constant 0 : i32
      %cond3A_54 = arith.cmpi ne, %convert_element_type3A, %cond3A : i32
      scf.if %cond3A_54 {
        %add3A_55 = arith.constant 3 : i32
        %add3A_56 = arith.addi %mul3A_28, %add3A_55 : i32
        %mul3A_57 = arith.constant 80 : i32
        %mul3A_58 = arith.muli %add3A_56, %mul3A_57 : i32
        %dma_start3A_59 = tpu.memref_slice %arg7[%mul3A_58] : memref<10000xi32, #tpu.memory_space<vmem>> -> memref<80xi32, #tpu.memory_space<vmem>>
        %dma_start3A_60 = arith.constant 0 : i32
        %dma_start3A_61 = arith.constant 0 : i32
        %dma_start3A_62 = tpu.memref_slice %arg4[%dma_start3A_60, %dma_start3A_61] : memref<10000x128xf32, #tpu.memory_space<hbm>> -> memref<10000x128xf32, #tpu.memory_space<hbm>>
        tpu.enqueue_indirect_dma source(%dma_start3A_62 : memref<10000x128xf32, #tpu.memory_space<hbm>>) target(%arg10 : memref<80x128xf32, #tpu.memory_space<vmem>>) offsets(%dma_start3A_59 : memref<80xi32, #tpu.memory_space<vmem>>) semaphore(%arg12 : memref<!tpu.dma_semaphore, #tpu.memory_space<semaphore_mem>>)
      } else {
      }
    }
    %scan3A_16 = arith.constant 62 : i32
    %dma_wait3A = arith.constant 9920 : i32
    %dma_wait3A_17 = tpu.memref_slice %arg7[%dma_wait3A] : memref<10000xi32, #tpu.memory_space<vmem>> -> memref<80xi32, #tpu.memory_space<vmem>>
    %dma_wait3A_18 = arith.constant 0 : i32
    %dma_wait3A_19 = arith.constant 0 : i32
    %dma_wait3A_20 = tpu.memref_slice %arg4[%dma_wait3A_18, %dma_wait3A_19] : memref<10000x128xf32, #tpu.memory_space<hbm>> -> memref<10000x128xf32, #tpu.memory_space<hbm>>
    tpu.wait_indirect_dma semaphore(%arg11 : memref<!tpu.dma_semaphore, #tpu.memory_space<semaphore_mem>>) src(%dma_wait3A_20 : memref<10000x128xf32, #tpu.memory_space<hbm>>) dst(%arg9 : memref<80x128xf32, #tpu.memory_space<vmem>>)
    %run_scoped3A = arith.constant 124 : i32
    "tpu.region"() ({
      %run_scoped3A_26 = tpu.sem_alloc : memref<!tpu.dma_semaphore, #tpu.memory_space<semaphore_mem>>
      %dma_start3A_27 = arith.constant 0 : i32
      %dma_start3A_28 = tpu.memref_slice %arg8[%run_scoped3A, %dma_start3A_27] : memref<125x80xi32, #tpu.memory_space<vmem>> -> memref<1x80xi32, #tpu.memory_space<vmem>>
      %dma_start3A_29 = tpu.memref_squeeze %dma_start3A_28 : memref<1x80xi32, #tpu.memory_space<vmem>> -> memref<80xi32, #tpu.memory_space<vmem>>
      %dma_start3A_30 = arith.constant 0 : i32
      %dma_start3A_31 = arith.constant 0 : i32
      %dma_start3A_32 = tpu.memref_slice %arg13[%dma_start3A_30, %dma_start3A_31] : memref<10240x128xf32, #tpu.memory_space<vmem_shared>> -> memref<10240x128xf32, #tpu.memory_space<vmem_shared>>
      tpu.enqueue_indirect_dma source(%arg9 : memref<80x128xf32, #tpu.memory_space<vmem>>) target(%dma_start3A_32 : memref<10240x128xf32, #tpu.memory_space<vmem_shared>>) offsets(%dma_start3A_29 : memref<80xi32, #tpu.memory_space<vmem>>) semaphore(%run_scoped3A_26 : memref<!tpu.dma_semaphore, #tpu.memory_space<semaphore_mem>>) {add = true}
      %dma_wait3A_33 = arith.constant 0 : i32
      %dma_wait3A_34 = tpu.memref_slice %arg8[%run_scoped3A, %dma_wait3A_33] : memref<125x80xi32, #tpu.memory_space<vmem>> -> memref<1x80xi32, #tpu.memory_space<vmem>>
      %dma_wait3A_35 = tpu.memref_squeeze %dma_wait3A_34 : memref<1x80xi32, #tpu.memory_space<vmem>> -> memref<80xi32, #tpu.memory_space<vmem>>
      %dma_wait3A_36 = arith.constant 0 : i32
      %dma_wait3A_37 = arith.constant 0 : i32
      %dma_wait3A_38 = tpu.memref_slice %arg13[%dma_wait3A_36, %dma_wait3A_37] : memref<10240x128xf32, #tpu.memory_space<vmem_shared>> -> memref<10240x128xf32, #tpu.memory_space<vmem_shared>>
      tpu.wait_indirect_dma semaphore(%run_scoped3A_26 : memref<!tpu.dma_semaphore, #tpu.memory_space<semaphore_mem>>) src(%arg9 : memref<80x128xf32, #tpu.memory_space<vmem>>) dst(%dma_wait3A_38 : memref<10240x128xf32, #tpu.memory_space<vmem_shared>>)
      tpu.yield
    }) : () -> ()
    %barrier3A_21 = arith.constant 0 : index
    tpu.barrier barrier_id(%barrier3A_21)
    %mul3A_22 = arith.constant 640 : i32
    %mul3A_23 = arith.muli %arg1, %mul3A_22 : i32
    %mul3A_24 = arith.constant 640 : i32
    %mul3A_25 = arith.muli %arg1, %mul3A_24 : i32
    "tpu.region"() ({
      %run_scoped3A_26 = tpu.sem_alloc : memref<!tpu.dma_semaphore, #tpu.memory_space<semaphore_mem>>
      %dma_start3A_27 = arith.constant 0 : i32
      %dma_start3A_28 = tpu.memref_slice %arg6[%arg0, %mul3A_25, %dma_start3A_27] : memref<2x10240x128xf32, #tpu.memory_space<hbm>> -> memref<1x640x128xf32, #tpu.memory_space<hbm>>
      %dma_start3A_29 = tpu.memref_squeeze %dma_start3A_28 : memref<1x640x128xf32, #tpu.memory_space<hbm>> -> memref<640x128xf32, #tpu.memory_space<hbm>>
      %dma_start3A_30 = arith.constant 0 : i32
      %dma_start3A_31 = tpu.memref_slice %arg13[%mul3A_23, %dma_start3A_30] : memref<10240x128xf32, #tpu.memory_space<vmem_shared>> -> memref<640x128xf32, #tpu.memory_space<vmem_shared>>
      tpu.enqueue_dma source(%dma_start3A_31 : memref<640x128xf32, #tpu.memory_space<vmem_shared>>) target(%dma_start3A_29 : memref<640x128xf32, #tpu.memory_space<hbm>>) target_semaphore(%run_scoped3A_26 : memref<!tpu.dma_semaphore, #tpu.memory_space<semaphore_mem>>)
      %dma_wait3A_32 = arith.constant 0 : i32
      %dma_wait3A_33 = tpu.memref_slice %arg6[%arg0, %mul3A_25, %dma_wait3A_32] : memref<2x10240x128xf32, #tpu.memory_space<hbm>> -> memref<1x640x128xf32, #tpu.memory_space<hbm>>
      %dma_wait3A_34 = tpu.memref_squeeze %dma_wait3A_33 : memref<1x640x128xf32, #tpu.memory_space<hbm>> -> memref<640x128xf32, #tpu.memory_space<hbm>>
      %dma_wait3A_35 = arith.constant 0 : i32
      %dma_wait3A_36 = tpu.memref_slice %arg13[%mul3A_23, %dma_wait3A_35] : memref<10240x128xf32, #tpu.memory_space<vmem_shared>> -> memref<640x128xf32, #tpu.memory_space<vmem_shared>>
      tpu.wait_dma2 semaphore(%run_scoped3A_26 : memref<!tpu.dma_semaphore, #tpu.memory_space<semaphore_mem>>) src(%dma_wait3A_36 : memref<640x128xf32, #tpu.memory_space<vmem_shared>>) dst(%dma_wait3A_34 : memref<640x128xf32, #tpu.memory_space<hbm>>)
      tpu.yield
    }) : () -> ()
    return
  }
}

#map = affine_map<(d0, d1) -> (0, 0)>
#map1 = affine_map<(d0, d1) -> (0, 0, 0)>
module attributes {stable_mosaic.version = 14 : i64} {
  func.func @_sc_agg_body(%arg0: i32, %arg1: i32, %arg2: memref<32x10000xi32, #tpu.memory_space<hbm>>, %arg3: memref<32x125x80xi32, #tpu.memory_space<hbm>>, %arg4: memref<10000x128xf32, #tpu.memory_space<hbm>>, %arg5: memref<640x128xf32, #tpu.memory_space<hbm>>, %arg6: memref<80x128xf32, #tpu.memory_space<hbm>>, %arg7: memref<2x10240x128xf32, #tpu.memory_space<hbm>>, %arg8: memref<2x10240x128xf32, #tpu.memory_space<hbm>>, %arg9: memref<10000xi32, #tpu.memory_space<vmem>>, %arg10: memref<125x80xi32, #tpu.memory_space<vmem>>, %arg11: memref<80x128xf32, #tpu.memory_space<vmem>>, %arg12: memref<80x128xf32, #tpu.memory_space<vmem>>, %arg13: memref<!tpu.dma_semaphore, #tpu.memory_space<semaphore_mem>>, %arg14: memref<!tpu.dma_semaphore, #tpu.memory_space<semaphore_mem>>, %arg15: memref<10240x128xf32, #tpu.memory_space<vmem_shared>>) attributes {dimension_semantics = [#tpu.dimension_semantics<core_parallel>, #tpu.dimension_semantics<subcore_parallel>], iteration_bounds = array<i64: 2, 16>, scalar_prefetch = 0 : i64, scratch_operands = 7 : i64, tpu.core_type = #tpu.core_type<sc_vector_subcore>, window_params = [{transform_indices = #map}, {transform_indices = #map1}, {transform_indices = #map}, {transform_indices = #map}, {transform_indices = #map}, {transform_indices = #map1}, {transform_indices = #map1}]} {
    %mul3A = arith.constant 16 : i32
    %mul3A_0 = arith.muli %arg0, %mul3A : i32
    %add3A = arith.addi %mul3A_0, %arg1 : i32
    "tpu.region"() ({
      %run_scoped3A_41 = tpu.sem_alloc : memref<!tpu.dma_semaphore, #tpu.memory_space<semaphore_mem>>
      %dma_start3A_42 = arith.constant 0 : i32
      %dma_start3A_43 = tpu.memref_slice %arg2[%add3A, %dma_start3A_42] : memref<32x10000xi32, #tpu.memory_space<hbm>> -> memref<1x10000xi32, #tpu.memory_space<hbm>>
      %dma_start3A_44 = tpu.memref_squeeze %dma_start3A_43 : memref<1x10000xi32, #tpu.memory_space<hbm>> -> memref<10000xi32, #tpu.memory_space<hbm>>
      %dma_start3A_45 = arith.constant 0 : i32
      %dma_start3A_46 = tpu.memref_slice %arg2[%add3A, %dma_start3A_45] : memref<32x10000xi32, #tpu.memory_space<hbm>> -> memref<1x10000xi32, #tpu.memory_space<hbm>>
      %dma_start3A_47 = tpu.memref_squeeze %dma_start3A_46 : memref<1x10000xi32, #tpu.memory_space<hbm>> -> memref<10000xi32, #tpu.memory_space<hbm>>
      tpu.enqueue_dma source(%dma_start3A_47 : memref<10000xi32, #tpu.memory_space<hbm>>) target(%arg9 : memref<10000xi32, #tpu.memory_space<vmem>>) target_semaphore(%run_scoped3A_41 : memref<!tpu.dma_semaphore, #tpu.memory_space<semaphore_mem>>)
      %dma_wait3A_48 = arith.constant 0 : i32
      %dma_wait3A_49 = tpu.memref_slice %arg2[%add3A, %dma_wait3A_48] : memref<32x10000xi32, #tpu.memory_space<hbm>> -> memref<1x10000xi32, #tpu.memory_space<hbm>>
      %dma_wait3A_50 = tpu.memref_squeeze %dma_wait3A_49 : memref<1x10000xi32, #tpu.memory_space<hbm>> -> memref<10000xi32, #tpu.memory_space<hbm>>
      %dma_wait3A_51 = arith.constant 0 : i32
      %dma_wait3A_52 = tpu.memref_slice %arg2[%add3A, %dma_wait3A_51] : memref<32x10000xi32, #tpu.memory_space<hbm>> -> memref<1x10000xi32, #tpu.memory_space<hbm>>
      %dma_wait3A_53 = tpu.memref_squeeze %dma_wait3A_52 : memref<1x10000xi32, #tpu.memory_space<hbm>> -> memref<10000xi32, #tpu.memory_space<hbm>>
      tpu.wait_dma2 semaphore(%run_scoped3A_41 : memref<!tpu.dma_semaphore, #tpu.memory_space<semaphore_mem>>) src(%dma_wait3A_53 : memref<10000xi32, #tpu.memory_space<hbm>>) dst(%arg9 : memref<10000xi32, #tpu.memory_space<vmem>>)
      tpu.yield
    }) : () -> ()
    %dma_start3A = arith.constant 0 : i32
    %dma_start3A_1 = tpu.memref_slice %arg9[%dma_start3A] : memref<10000xi32, #tpu.memory_space<vmem>> -> memref<80xi32, #tpu.memory_space<vmem>>
    %dma_start3A_2 = arith.constant 0 : i32
    %dma_start3A_3 = arith.constant 0 : i32
    %dma_start3A_4 = tpu.memref_slice %arg4[%dma_start3A_2, %dma_start3A_3] : memref<10000x128xf32, #tpu.memory_space<hbm>> -> memref<10000x128xf32, #tpu.memory_space<hbm>>
    tpu.enqueue_indirect_dma source(%dma_start3A_4 : memref<10000x128xf32, #tpu.memory_space<hbm>>) target(%arg11 : memref<80x128xf32, #tpu.memory_space<vmem>>) offsets(%dma_start3A_1 : memref<80xi32, #tpu.memory_space<vmem>>) semaphore(%arg13 : memref<!tpu.dma_semaphore, #tpu.memory_space<semaphore_mem>>)
    %dma_start3A_5 = arith.constant 80 : i32
    %dma_start3A_6 = tpu.memref_slice %arg9[%dma_start3A_5] : memref<10000xi32, #tpu.memory_space<vmem>> -> memref<80xi32, #tpu.memory_space<vmem>>
    %dma_start3A_7 = arith.constant 0 : i32
    %dma_start3A_8 = arith.constant 0 : i32
    %dma_start3A_9 = tpu.memref_slice %arg4[%dma_start3A_7, %dma_start3A_8] : memref<10000x128xf32, #tpu.memory_space<hbm>> -> memref<10000x128xf32, #tpu.memory_space<hbm>>
    tpu.enqueue_indirect_dma source(%dma_start3A_9 : memref<10000x128xf32, #tpu.memory_space<hbm>>) target(%arg12 : memref<80x128xf32, #tpu.memory_space<vmem>>) offsets(%dma_start3A_6 : memref<80xi32, #tpu.memory_space<vmem>>) semaphore(%arg14 : memref<!tpu.dma_semaphore, #tpu.memory_space<semaphore_mem>>)
    %mul3A_10 = arith.constant 640 : i32
    %mul3A_11 = arith.muli %arg1, %mul3A_10 : i32
    "tpu.region"() ({
      %run_scoped3A_41 = tpu.sem_alloc : memref<!tpu.dma_semaphore, #tpu.memory_space<semaphore_mem>>
      %dma_start3A_42 = arith.constant 0 : i32
      %dma_start3A_43 = tpu.memref_slice %arg15[%mul3A_11, %dma_start3A_42] : memref<10240x128xf32, #tpu.memory_space<vmem_shared>> -> memref<640x128xf32, #tpu.memory_space<vmem_shared>>
      tpu.enqueue_dma source(%arg5 : memref<640x128xf32, #tpu.memory_space<hbm>>) target(%dma_start3A_43 : memref<640x128xf32, #tpu.memory_space<vmem_shared>>) target_semaphore(%run_scoped3A_41 : memref<!tpu.dma_semaphore, #tpu.memory_space<semaphore_mem>>)
      %dma_wait3A_44 = arith.constant 0 : i32
      %dma_wait3A_45 = tpu.memref_slice %arg15[%mul3A_11, %dma_wait3A_44] : memref<10240x128xf32, #tpu.memory_space<vmem_shared>> -> memref<640x128xf32, #tpu.memory_space<vmem_shared>>
      tpu.wait_dma2 semaphore(%run_scoped3A_41 : memref<!tpu.dma_semaphore, #tpu.memory_space<semaphore_mem>>) src(%arg5 : memref<640x128xf32, #tpu.memory_space<hbm>>) dst(%dma_wait3A_45 : memref<640x128xf32, #tpu.memory_space<vmem_shared>>)
      tpu.yield
    }) : () -> ()
    "tpu.region"() ({
      %run_scoped3A_41 = tpu.sem_alloc : memref<!tpu.dma_semaphore, #tpu.memory_space<semaphore_mem>>
      %dma_start3A_42 = arith.constant 0 : i32
      %dma_start3A_43 = arith.constant 0 : i32
      %dma_start3A_44 = tpu.memref_slice %arg3[%add3A, %dma_start3A_42, %dma_start3A_43] : memref<32x125x80xi32, #tpu.memory_space<hbm>> -> memref<1x125x80xi32, #tpu.memory_space<hbm>>
      %dma_start3A_45 = tpu.memref_squeeze %dma_start3A_44 : memref<1x125x80xi32, #tpu.memory_space<hbm>> -> memref<125x80xi32, #tpu.memory_space<hbm>>
      %dma_start3A_46 = arith.constant 0 : i32
      %dma_start3A_47 = arith.constant 0 : i32
      %dma_start3A_48 = tpu.memref_slice %arg3[%add3A, %dma_start3A_46, %dma_start3A_47] : memref<32x125x80xi32, #tpu.memory_space<hbm>> -> memref<1x125x80xi32, #tpu.memory_space<hbm>>
      %dma_start3A_49 = tpu.memref_squeeze %dma_start3A_48 : memref<1x125x80xi32, #tpu.memory_space<hbm>> -> memref<125x80xi32, #tpu.memory_space<hbm>>
      tpu.enqueue_dma source(%dma_start3A_49 : memref<125x80xi32, #tpu.memory_space<hbm>>) target(%arg10 : memref<125x80xi32, #tpu.memory_space<vmem>>) target_semaphore(%run_scoped3A_41 : memref<!tpu.dma_semaphore, #tpu.memory_space<semaphore_mem>>)
      %dma_wait3A_50 = arith.constant 0 : i32
      %dma_wait3A_51 = arith.constant 0 : i32
      %dma_wait3A_52 = tpu.memref_slice %arg3[%add3A, %dma_wait3A_50, %dma_wait3A_51] : memref<32x125x80xi32, #tpu.memory_space<hbm>> -> memref<1x125x80xi32, #tpu.memory_space<hbm>>
      %dma_wait3A_53 = tpu.memref_squeeze %dma_wait3A_52 : memref<1x125x80xi32, #tpu.memory_space<hbm>> -> memref<125x80xi32, #tpu.memory_space<hbm>>
      %dma_wait3A_54 = arith.constant 0 : i32
      %dma_wait3A_55 = arith.constant 0 : i32
      %dma_wait3A_56 = tpu.memref_slice %arg3[%add3A, %dma_wait3A_54, %dma_wait3A_55] : memref<32x125x80xi32, #tpu.memory_space<hbm>> -> memref<1x125x80xi32, #tpu.memory_space<hbm>>
      %dma_wait3A_57 = tpu.memref_squeeze %dma_wait3A_56 : memref<1x125x80xi32, #tpu.memory_space<hbm>> -> memref<125x80xi32, #tpu.memory_space<hbm>>
      tpu.wait_dma2 semaphore(%run_scoped3A_41 : memref<!tpu.dma_semaphore, #tpu.memory_space<semaphore_mem>>) src(%dma_wait3A_57 : memref<125x80xi32, #tpu.memory_space<hbm>>) dst(%arg10 : memref<125x80xi32, #tpu.memory_space<vmem>>)
      tpu.yield
    }) : () -> ()
    %barrier3A = arith.constant 0 : index
    tpu.barrier barrier_id(%barrier3A)
    %scan3A = arith.constant 0 : i32
    %scan3A_12 = arith.constant 0 : i32
    %scan3A_13 = arith.constant 62 : i32
    %scan3A_14 = arith.addi %scan3A_12, %scan3A_13 : i32
    %scan3A_15 = arith.constant 1 : i32
    scf.for %scan3A_41 = %scan3A_12 to %scan3A_14 step %scan3A_15  : i32 {
      %mul3A_42 = arith.constant 2 : i32
      %mul3A_43 = arith.muli %scan3A_41, %mul3A_42 : i32
      %mul3A_44 = arith.constant 80 : i32
      %mul3A_45 = arith.muli %mul3A_43, %mul3A_44 : i32
      %dma_wait3A_46 = tpu.memref_slice %arg9[%mul3A_45] : memref<10000xi32, #tpu.memory_space<vmem>> -> memref<80xi32, #tpu.memory_space<vmem>>
      %dma_wait3A_47 = arith.constant 0 : i32
      %dma_wait3A_48 = arith.constant 0 : i32
      %dma_wait3A_49 = tpu.memref_slice %arg4[%dma_wait3A_47, %dma_wait3A_48] : memref<10000x128xf32, #tpu.memory_space<hbm>> -> memref<10000x128xf32, #tpu.memory_space<hbm>>
      tpu.wait_indirect_dma semaphore(%arg13 : memref<!tpu.dma_semaphore, #tpu.memory_space<semaphore_mem>>) src(%dma_wait3A_49 : memref<10000x128xf32, #tpu.memory_space<hbm>>) dst(%arg11 : memref<80x128xf32, #tpu.memory_space<vmem>>)
      "tpu.region"() ({
        %run_scoped3A_70 = tpu.sem_alloc : memref<!tpu.dma_semaphore, #tpu.memory_space<semaphore_mem>>
        %dma_start3A_71 = arith.constant 0 : i32
        %dma_start3A_72 = tpu.memref_slice %arg10[%mul3A_43, %dma_start3A_71] : memref<125x80xi32, #tpu.memory_space<vmem>> -> memref<1x80xi32, #tpu.memory_space<vmem>>
        %dma_start3A_73 = tpu.memref_squeeze %dma_start3A_72 : memref<1x80xi32, #tpu.memory_space<vmem>> -> memref<80xi32, #tpu.memory_space<vmem>>
        %dma_start3A_74 = arith.constant 0 : i32
        %dma_start3A_75 = arith.constant 0 : i32
        %dma_start3A_76 = tpu.memref_slice %arg15[%dma_start3A_74, %dma_start3A_75] : memref<10240x128xf32, #tpu.memory_space<vmem_shared>> -> memref<10240x128xf32, #tpu.memory_space<vmem_shared>>
        tpu.enqueue_indirect_dma source(%arg11 : memref<80x128xf32, #tpu.memory_space<vmem>>) target(%dma_start3A_76 : memref<10240x128xf32, #tpu.memory_space<vmem_shared>>) offsets(%dma_start3A_73 : memref<80xi32, #tpu.memory_space<vmem>>) semaphore(%run_scoped3A_70 : memref<!tpu.dma_semaphore, #tpu.memory_space<semaphore_mem>>) {add = true}
        %dma_wait3A_77 = arith.constant 0 : i32
        %dma_wait3A_78 = tpu.memref_slice %arg10[%mul3A_43, %dma_wait3A_77] : memref<125x80xi32, #tpu.memory_space<vmem>> -> memref<1x80xi32, #tpu.memory_space<vmem>>
        %dma_wait3A_79 = tpu.memref_squeeze %dma_wait3A_78 : memref<1x80xi32, #tpu.memory_space<vmem>> -> memref<80xi32, #tpu.memory_space<vmem>>
        %dma_wait3A_80 = arith.constant 0 : i32
        %dma_wait3A_81 = arith.constant 0 : i32
        %dma_wait3A_82 = tpu.memref_slice %arg15[%dma_wait3A_80, %dma_wait3A_81] : memref<10240x128xf32, #tpu.memory_space<vmem_shared>> -> memref<10240x128xf32, #tpu.memory_space<vmem_shared>>
        tpu.wait_indirect_dma semaphore(%run_scoped3A_70 : memref<!tpu.dma_semaphore, #tpu.memory_space<semaphore_mem>>) src(%arg11 : memref<80x128xf32, #tpu.memory_space<vmem>>) dst(%dma_wait3A_82 : memref<10240x128xf32, #tpu.memory_space<vmem_shared>>)
        tpu.yield
      }) : () -> ()
      %add3A_50 = arith.constant 2 : i32
      %add3A_51 = arith.addi %mul3A_43, %add3A_50 : i32
      %mul3A_52 = arith.constant 80 : i32
      %mul3A_53 = arith.muli %add3A_51, %mul3A_52 : i32
      %dma_start3A_54 = tpu.memref_slice %arg9[%mul3A_53] : memref<10000xi32, #tpu.memory_space<vmem>> -> memref<80xi32, #tpu.memory_space<vmem>>
      %dma_start3A_55 = arith.constant 0 : i32
      %dma_start3A_56 = arith.constant 0 : i32
      %dma_start3A_57 = tpu.memref_slice %arg4[%dma_start3A_55, %dma_start3A_56] : memref<10000x128xf32, #tpu.memory_space<hbm>> -> memref<10000x128xf32, #tpu.memory_space<hbm>>
      tpu.enqueue_indirect_dma source(%dma_start3A_57 : memref<10000x128xf32, #tpu.memory_space<hbm>>) target(%arg11 : memref<80x128xf32, #tpu.memory_space<vmem>>) offsets(%dma_start3A_54 : memref<80xi32, #tpu.memory_space<vmem>>) semaphore(%arg13 : memref<!tpu.dma_semaphore, #tpu.memory_space<semaphore_mem>>)
      %add3A_58 = arith.constant 1 : i32
      %add3A_59 = arith.addi %mul3A_43, %add3A_58 : i32
      %mul3A_60 = arith.constant 80 : i32
      %mul3A_61 = arith.muli %add3A_59, %mul3A_60 : i32
      %dma_wait3A_62 = tpu.memref_slice %arg9[%mul3A_61] : memref<10000xi32, #tpu.memory_space<vmem>> -> memref<80xi32, #tpu.memory_space<vmem>>
      %dma_wait3A_63 = arith.constant 0 : i32
      %dma_wait3A_64 = arith.constant 0 : i32
      %dma_wait3A_65 = tpu.memref_slice %arg4[%dma_wait3A_63, %dma_wait3A_64] : memref<10000x128xf32, #tpu.memory_space<hbm>> -> memref<10000x128xf32, #tpu.memory_space<hbm>>
      tpu.wait_indirect_dma semaphore(%arg14 : memref<!tpu.dma_semaphore, #tpu.memory_space<semaphore_mem>>) src(%dma_wait3A_65 : memref<10000x128xf32, #tpu.memory_space<hbm>>) dst(%arg12 : memref<80x128xf32, #tpu.memory_space<vmem>>)
      %add3A_66 = arith.constant 1 : i32
      %add3A_67 = arith.addi %mul3A_43, %add3A_66 : i32
      "tpu.region"() ({
        %run_scoped3A_70 = tpu.sem_alloc : memref<!tpu.dma_semaphore, #tpu.memory_space<semaphore_mem>>
        %dma_start3A_71 = arith.constant 0 : i32
        %dma_start3A_72 = tpu.memref_slice %arg10[%add3A_67, %dma_start3A_71] : memref<125x80xi32, #tpu.memory_space<vmem>> -> memref<1x80xi32, #tpu.memory_space<vmem>>
        %dma_start3A_73 = tpu.memref_squeeze %dma_start3A_72 : memref<1x80xi32, #tpu.memory_space<vmem>> -> memref<80xi32, #tpu.memory_space<vmem>>
        %dma_start3A_74 = arith.constant 0 : i32
        %dma_start3A_75 = arith.constant 0 : i32
        %dma_start3A_76 = tpu.memref_slice %arg15[%dma_start3A_74, %dma_start3A_75] : memref<10240x128xf32, #tpu.memory_space<vmem_shared>> -> memref<10240x128xf32, #tpu.memory_space<vmem_shared>>
        tpu.enqueue_indirect_dma source(%arg12 : memref<80x128xf32, #tpu.memory_space<vmem>>) target(%dma_start3A_76 : memref<10240x128xf32, #tpu.memory_space<vmem_shared>>) offsets(%dma_start3A_73 : memref<80xi32, #tpu.memory_space<vmem>>) semaphore(%run_scoped3A_70 : memref<!tpu.dma_semaphore, #tpu.memory_space<semaphore_mem>>) {add = true}
        %dma_wait3A_77 = arith.constant 0 : i32
        %dma_wait3A_78 = tpu.memref_slice %arg10[%add3A_67, %dma_wait3A_77] : memref<125x80xi32, #tpu.memory_space<vmem>> -> memref<1x80xi32, #tpu.memory_space<vmem>>
        %dma_wait3A_79 = tpu.memref_squeeze %dma_wait3A_78 : memref<1x80xi32, #tpu.memory_space<vmem>> -> memref<80xi32, #tpu.memory_space<vmem>>
        %dma_wait3A_80 = arith.constant 0 : i32
        %dma_wait3A_81 = arith.constant 0 : i32
        %dma_wait3A_82 = tpu.memref_slice %arg15[%dma_wait3A_80, %dma_wait3A_81] : memref<10240x128xf32, #tpu.memory_space<vmem_shared>> -> memref<10240x128xf32, #tpu.memory_space<vmem_shared>>
        tpu.wait_indirect_dma semaphore(%run_scoped3A_70 : memref<!tpu.dma_semaphore, #tpu.memory_space<semaphore_mem>>) src(%arg12 : memref<80x128xf32, #tpu.memory_space<vmem>>) dst(%dma_wait3A_82 : memref<10240x128xf32, #tpu.memory_space<vmem_shared>>)
        tpu.yield
      }) : () -> ()
      %lt3A = arith.constant 61 : i32
      %lt3A_68 = arith.cmpi slt, %scan3A_41, %lt3A : i32
      %convert_element_type3A = arith.extui %lt3A_68 : i1 to i32
      %cond3A = arith.constant 0 : i32
      %cond3A_69 = arith.cmpi ne, %convert_element_type3A, %cond3A : i32
      scf.if %cond3A_69 {
        %add3A_70 = arith.constant 3 : i32
        %add3A_71 = arith.addi %mul3A_43, %add3A_70 : i32
        %mul3A_72 = arith.constant 80 : i32
        %mul3A_73 = arith.muli %add3A_71, %mul3A_72 : i32
        %dma_start3A_74 = tpu.memref_slice %arg9[%mul3A_73] : memref<10000xi32, #tpu.memory_space<vmem>> -> memref<80xi32, #tpu.memory_space<vmem>>
        %dma_start3A_75 = arith.constant 0 : i32
        %dma_start3A_76 = arith.constant 0 : i32
        %dma_start3A_77 = tpu.memref_slice %arg4[%dma_start3A_75, %dma_start3A_76] : memref<10000x128xf32, #tpu.memory_space<hbm>> -> memref<10000x128xf32, #tpu.memory_space<hbm>>
        tpu.enqueue_indirect_dma source(%dma_start3A_77 : memref<10000x128xf32, #tpu.memory_space<hbm>>) target(%arg12 : memref<80x128xf32, #tpu.memory_space<vmem>>) offsets(%dma_start3A_74 : memref<80xi32, #tpu.memory_space<vmem>>) semaphore(%arg14 : memref<!tpu.dma_semaphore, #tpu.memory_space<semaphore_mem>>)
      } else {
      }
    }
    %scan3A_16 = arith.constant 62 : i32
    %dma_wait3A = arith.constant 9920 : i32
    %dma_wait3A_17 = tpu.memref_slice %arg9[%dma_wait3A] : memref<10000xi32, #tpu.memory_space<vmem>> -> memref<80xi32, #tpu.memory_space<vmem>>
    %dma_wait3A_18 = arith.constant 0 : i32
    %dma_wait3A_19 = arith.constant 0 : i32
    %dma_wait3A_20 = tpu.memref_slice %arg4[%dma_wait3A_18, %dma_wait3A_19] : memref<10000x128xf32, #tpu.memory_space<hbm>> -> memref<10000x128xf32, #tpu.memory_space<hbm>>
    tpu.wait_indirect_dma semaphore(%arg13 : memref<!tpu.dma_semaphore, #tpu.memory_space<semaphore_mem>>) src(%dma_wait3A_20 : memref<10000x128xf32, #tpu.memory_space<hbm>>) dst(%arg11 : memref<80x128xf32, #tpu.memory_space<vmem>>)
    %run_scoped3A = arith.constant 124 : i32
    "tpu.region"() ({
      %run_scoped3A_41 = tpu.sem_alloc : memref<!tpu.dma_semaphore, #tpu.memory_space<semaphore_mem>>
      %dma_start3A_42 = arith.constant 0 : i32
      %dma_start3A_43 = tpu.memref_slice %arg10[%run_scoped3A, %dma_start3A_42] : memref<125x80xi32, #tpu.memory_space<vmem>> -> memref<1x80xi32, #tpu.memory_space<vmem>>
      %dma_start3A_44 = tpu.memref_squeeze %dma_start3A_43 : memref<1x80xi32, #tpu.memory_space<vmem>> -> memref<80xi32, #tpu.memory_space<vmem>>
      %dma_start3A_45 = arith.constant 0 : i32
      %dma_start3A_46 = arith.constant 0 : i32
      %dma_start3A_47 = tpu.memref_slice %arg15[%dma_start3A_45, %dma_start3A_46] : memref<10240x128xf32, #tpu.memory_space<vmem_shared>> -> memref<10240x128xf32, #tpu.memory_space<vmem_shared>>
      tpu.enqueue_indirect_dma source(%arg11 : memref<80x128xf32, #tpu.memory_space<vmem>>) target(%dma_start3A_47 : memref<10240x128xf32, #tpu.memory_space<vmem_shared>>) offsets(%dma_start3A_44 : memref<80xi32, #tpu.memory_space<vmem>>) semaphore(%run_scoped3A_41 : memref<!tpu.dma_semaphore, #tpu.memory_space<semaphore_mem>>) {add = true}
      %dma_wait3A_48 = arith.constant 0 : i32
      %dma_wait3A_49 = tpu.memref_slice %arg10[%run_scoped3A, %dma_wait3A_48] : memref<125x80xi32, #tpu.memory_space<vmem>> -> memref<1x80xi32, #tpu.memory_space<vmem>>
      %dma_wait3A_50 = tpu.memref_squeeze %dma_wait3A_49 : memref<1x80xi32, #tpu.memory_space<vmem>> -> memref<80xi32, #tpu.memory_space<vmem>>
      %dma_wait3A_51 = arith.constant 0 : i32
      %dma_wait3A_52 = arith.constant 0 : i32
      %dma_wait3A_53 = tpu.memref_slice %arg15[%dma_wait3A_51, %dma_wait3A_52] : memref<10240x128xf32, #tpu.memory_space<vmem_shared>> -> memref<10240x128xf32, #tpu.memory_space<vmem_shared>>
      tpu.wait_indirect_dma semaphore(%run_scoped3A_41 : memref<!tpu.dma_semaphore, #tpu.memory_space<semaphore_mem>>) src(%arg11 : memref<80x128xf32, #tpu.memory_space<vmem>>) dst(%dma_wait3A_53 : memref<10240x128xf32, #tpu.memory_space<vmem_shared>>)
      tpu.yield
    }) : () -> ()
    %barrier3A_21 = arith.constant 0 : index
    tpu.barrier barrier_id(%barrier3A_21)
    %mul3A_22 = arith.constant 640 : i32
    %mul3A_23 = arith.muli %arg1, %mul3A_22 : i32
    %mul3A_24 = arith.constant 640 : i32
    %mul3A_25 = arith.muli %arg1, %mul3A_24 : i32
    "tpu.region"() ({
      %run_scoped3A_41 = tpu.sem_alloc : memref<!tpu.dma_semaphore, #tpu.memory_space<semaphore_mem>>
      %dma_start3A_42 = arith.constant 0 : i32
      %dma_start3A_43 = tpu.memref_slice %arg7[%arg0, %mul3A_25, %dma_start3A_42] : memref<2x10240x128xf32, #tpu.memory_space<hbm>> -> memref<1x640x128xf32, #tpu.memory_space<hbm>>
      %dma_start3A_44 = tpu.memref_squeeze %dma_start3A_43 : memref<1x640x128xf32, #tpu.memory_space<hbm>> -> memref<640x128xf32, #tpu.memory_space<hbm>>
      %dma_start3A_45 = arith.constant 0 : i32
      %dma_start3A_46 = tpu.memref_slice %arg15[%mul3A_23, %dma_start3A_45] : memref<10240x128xf32, #tpu.memory_space<vmem_shared>> -> memref<640x128xf32, #tpu.memory_space<vmem_shared>>
      tpu.enqueue_dma source(%dma_start3A_46 : memref<640x128xf32, #tpu.memory_space<vmem_shared>>) target(%dma_start3A_44 : memref<640x128xf32, #tpu.memory_space<hbm>>) target_semaphore(%run_scoped3A_41 : memref<!tpu.dma_semaphore, #tpu.memory_space<semaphore_mem>>)
      %dma_wait3A_47 = arith.constant 0 : i32
      %dma_wait3A_48 = tpu.memref_slice %arg7[%arg0, %mul3A_25, %dma_wait3A_47] : memref<2x10240x128xf32, #tpu.memory_space<hbm>> -> memref<1x640x128xf32, #tpu.memory_space<hbm>>
      %dma_wait3A_49 = tpu.memref_squeeze %dma_wait3A_48 : memref<1x640x128xf32, #tpu.memory_space<hbm>> -> memref<640x128xf32, #tpu.memory_space<hbm>>
      %dma_wait3A_50 = arith.constant 0 : i32
      %dma_wait3A_51 = tpu.memref_slice %arg15[%mul3A_23, %dma_wait3A_50] : memref<10240x128xf32, #tpu.memory_space<vmem_shared>> -> memref<640x128xf32, #tpu.memory_space<vmem_shared>>
      tpu.wait_dma2 semaphore(%run_scoped3A_41 : memref<!tpu.dma_semaphore, #tpu.memory_space<semaphore_mem>>) src(%dma_wait3A_51 : memref<640x128xf32, #tpu.memory_space<vmem_shared>>) dst(%dma_wait3A_49 : memref<640x128xf32, #tpu.memory_space<hbm>>)
      tpu.yield
    }) : () -> ()
    %barrier3A_26 = arith.constant 0 : index
    tpu.barrier barrier_id(%barrier3A_26)
    %mul3A_27 = arith.constant 640 : i32
    %mul3A_28 = arith.muli %arg1, %mul3A_27 : i32
    "tpu.region"() ({
      %run_scoped3A_41 = tpu.sem_alloc : memref<!tpu.dma_semaphore, #tpu.memory_space<semaphore_mem>>
      %dma_start3A_42 = arith.constant 0 : i32
      %dma_start3A_43 = tpu.memref_slice %arg15[%mul3A_28, %dma_start3A_42] : memref<10240x128xf32, #tpu.memory_space<vmem_shared>> -> memref<640x128xf32, #tpu.memory_space<vmem_shared>>
      tpu.enqueue_dma source(%arg5 : memref<640x128xf32, #tpu.memory_space<hbm>>) target(%dma_start3A_43 : memref<640x128xf32, #tpu.memory_space<vmem_shared>>) target_semaphore(%run_scoped3A_41 : memref<!tpu.dma_semaphore, #tpu.memory_space<semaphore_mem>>)
      %dma_wait3A_44 = arith.constant 0 : i32
      %dma_wait3A_45 = tpu.memref_slice %arg15[%mul3A_28, %dma_wait3A_44] : memref<10240x128xf32, #tpu.memory_space<vmem_shared>> -> memref<640x128xf32, #tpu.memory_space<vmem_shared>>
      tpu.wait_dma2 semaphore(%run_scoped3A_41 : memref<!tpu.dma_semaphore, #tpu.memory_space<semaphore_mem>>) src(%arg5 : memref<640x128xf32, #tpu.memory_space<hbm>>) dst(%dma_wait3A_45 : memref<640x128xf32, #tpu.memory_space<vmem_shared>>)
      tpu.yield
    }) : () -> ()
    "tpu.region"() ({
      %run_scoped3A_41 = tpu.sem_alloc : memref<!tpu.dma_semaphore, #tpu.memory_space<semaphore_mem>>
      tpu.enqueue_dma source(%arg6 : memref<80x128xf32, #tpu.memory_space<hbm>>) target(%arg11 : memref<80x128xf32, #tpu.memory_space<vmem>>) target_semaphore(%run_scoped3A_41 : memref<!tpu.dma_semaphore, #tpu.memory_space<semaphore_mem>>)
      tpu.wait_dma2 semaphore(%run_scoped3A_41 : memref<!tpu.dma_semaphore, #tpu.memory_space<semaphore_mem>>) src(%arg6 : memref<80x128xf32, #tpu.memory_space<hbm>>) dst(%arg11 : memref<80x128xf32, #tpu.memory_space<vmem>>)
      tpu.yield
    }) : () -> ()
    %barrier3A_29 = arith.constant 0 : index
    tpu.barrier barrier_id(%barrier3A_29)
    %scan3A_30 = arith.constant 0 : i32
    %scan3A_31 = arith.constant 0 : i32
    %scan3A_32 = arith.constant 125 : i32
    %scan3A_33 = arith.addi %scan3A_31, %scan3A_32 : i32
    %scan3A_34 = arith.constant 1 : i32
    scf.for %scan3A_41 = %scan3A_31 to %scan3A_33 step %scan3A_34  : i32 {
      "tpu.region"() ({
        %run_scoped3A_42 = tpu.sem_alloc : memref<!tpu.dma_semaphore, #tpu.memory_space<semaphore_mem>>
        %dma_start3A_43 = arith.constant 0 : i32
        %dma_start3A_44 = tpu.memref_slice %arg10[%scan3A_41, %dma_start3A_43] : memref<125x80xi32, #tpu.memory_space<vmem>> -> memref<1x80xi32, #tpu.memory_space<vmem>>
        %dma_start3A_45 = tpu.memref_squeeze %dma_start3A_44 : memref<1x80xi32, #tpu.memory_space<vmem>> -> memref<80xi32, #tpu.memory_space<vmem>>
        %dma_start3A_46 = arith.constant 0 : i32
        %dma_start3A_47 = arith.constant 0 : i32
        %dma_start3A_48 = tpu.memref_slice %arg15[%dma_start3A_46, %dma_start3A_47] : memref<10240x128xf32, #tpu.memory_space<vmem_shared>> -> memref<10240x128xf32, #tpu.memory_space<vmem_shared>>
        tpu.enqueue_indirect_dma source(%arg11 : memref<80x128xf32, #tpu.memory_space<vmem>>) target(%dma_start3A_48 : memref<10240x128xf32, #tpu.memory_space<vmem_shared>>) offsets(%dma_start3A_45 : memref<80xi32, #tpu.memory_space<vmem>>) semaphore(%run_scoped3A_42 : memref<!tpu.dma_semaphore, #tpu.memory_space<semaphore_mem>>) {add = true}
        %dma_wait3A_49 = arith.constant 0 : i32
        %dma_wait3A_50 = tpu.memref_slice %arg10[%scan3A_41, %dma_wait3A_49] : memref<125x80xi32, #tpu.memory_space<vmem>> -> memref<1x80xi32, #tpu.memory_space<vmem>>
        %dma_wait3A_51 = tpu.memref_squeeze %dma_wait3A_50 : memref<1x80xi32, #tpu.memory_space<vmem>> -> memref<80xi32, #tpu.memory_space<vmem>>
        %dma_wait3A_52 = arith.constant 0 : i32
        %dma_wait3A_53 = arith.constant 0 : i32
        %dma_wait3A_54 = tpu.memref_slice %arg15[%dma_wait3A_52, %dma_wait3A_53] : memref<10240x128xf32, #tpu.memory_space<vmem_shared>> -> memref<10240x128xf32, #tpu.memory_space<vmem_shared>>
        tpu.wait_indirect_dma semaphore(%run_scoped3A_42 : memref<!tpu.dma_semaphore, #tpu.memory_space<semaphore_mem>>) src(%arg11 : memref<80x128xf32, #tpu.memory_space<vmem>>) dst(%dma_wait3A_54 : memref<10240x128xf32, #tpu.memory_space<vmem_shared>>)
        tpu.yield
      }) : () -> ()
    }
    %scan3A_35 = arith.constant 125 : i32
    %barrier3A_36 = arith.constant 0 : index
    tpu.barrier barrier_id(%barrier3A_36)
    %mul3A_37 = arith.constant 640 : i32
    %mul3A_38 = arith.muli %arg1, %mul3A_37 : i32
    %mul3A_39 = arith.constant 640 : i32
    %mul3A_40 = arith.muli %arg1, %mul3A_39 : i32
    "tpu.region"() ({
      %run_scoped3A_41 = tpu.sem_alloc : memref<!tpu.dma_semaphore, #tpu.memory_space<semaphore_mem>>
      %dma_start3A_42 = arith.constant 0 : i32
      %dma_start3A_43 = tpu.memref_slice %arg8[%arg0, %mul3A_40, %dma_start3A_42] : memref<2x10240x128xf32, #tpu.memory_space<hbm>> -> memref<1x640x128xf32, #tpu.memory_space<hbm>>
      %dma_start3A_44 = tpu.memref_squeeze %dma_start3A_43 : memref<1x640x128xf32, #tpu.memory_space<hbm>> -> memref<640x128xf32, #tpu.memory_space<hbm>>
      %dma_start3A_45 = arith.constant 0 : i32
      %dma_start3A_46 = tpu.memref_slice %arg15[%mul3A_38, %dma_start3A_45] : memref<10240x128xf32, #tpu.memory_space<vmem_shared>> -> memref<640x128xf32, #tpu.memory_space<vmem_shared>>
      tpu.enqueue_dma source(%dma_start3A_46 : memref<640x128xf32, #tpu.memory_space<vmem_shared>>) target(%dma_start3A_44 : memref<640x128xf32, #tpu.memory_space<hbm>>) target_semaphore(%run_scoped3A_41 : memref<!tpu.dma_semaphore, #tpu.memory_space<semaphore_mem>>)
      %dma_wait3A_47 = arith.constant 0 : i32
      %dma_wait3A_48 = tpu.memref_slice %arg8[%arg0, %mul3A_40, %dma_wait3A_47] : memref<2x10240x128xf32, #tpu.memory_space<hbm>> -> memref<1x640x128xf32, #tpu.memory_space<hbm>>
      %dma_wait3A_49 = tpu.memref_squeeze %dma_wait3A_48 : memref<1x640x128xf32, #tpu.memory_space<hbm>> -> memref<640x128xf32, #tpu.memory_space<hbm>>
      %dma_wait3A_50 = arith.constant 0 : i32
      %dma_wait3A_51 = tpu.memref_slice %arg15[%mul3A_38, %dma_wait3A_50] : memref<10240x128xf32, #tpu.memory_space<vmem_shared>> -> memref<640x128xf32, #tpu.memory_space<vmem_shared>>
      tpu.wait_dma2 semaphore(%run_scoped3A_41 : memref<!tpu.dma_semaphore, #tpu.memory_space<semaphore_mem>>) src(%dma_wait3A_51 : memref<640x128xf32, #tpu.memory_space<vmem_shared>>) dst(%dma_wait3A_49 : memref<640x128xf32, #tpu.memory_space<hbm>>)
      tpu.yield
    }) : () -> ()
    return
  }
}

module attributes {stable_mosaic.version = 14 : i64} {
  func.func @_tc1_body(%arg0: memref<2x10240x128xf32, #tpu.memory_space<vmem>>, %arg1: memref<2x10240x128xf32, #tpu.memory_space<vmem>>, %arg2: memref<10000x128xf32, #tpu.memory_space<vmem>>, %arg3: memref<128x128xf32, #tpu.memory_space<vmem>>, %arg4: memref<1x128xf32, #tpu.memory_space<vmem>>, %arg5: memref<128x128xf32, #tpu.memory_space<vmem>>, %arg6: memref<1x128xf32, #tpu.memory_space<vmem>>, %arg7: memref<1x128xf32, #tpu.memory_space<vmem>>, %arg8: memref<10000x128xf32, #tpu.memory_space<vmem>>) attributes {dimension_semantics = [], scalar_prefetch = 0 : i64, scratch_operands = 0 : i64, tpu.core_type = #tpu.core_type<tc>} {
    %get3A = arith.constant 0 : index
    %get3A_0 = arith.constant 0 : index
    %get3A_1 = arith.constant 0 : index
    %get3A_2 = vector.load %arg0[%get3A, %get3A_0, %get3A_1] : memref<2x10240x128xf32, #tpu.memory_space<vmem>>, vector<1x10240x128xf32>
    %get3A_3 = vector.shape_cast %get3A_2 : vector<1x10240x128xf32> to vector<10240x128xf32>
    %get3A_4 = arith.constant 1 : index
    %get3A_5 = arith.constant 0 : index
    %get3A_6 = arith.constant 0 : index
    %get3A_7 = vector.load %arg0[%get3A_4, %get3A_5, %get3A_6] : memref<2x10240x128xf32, #tpu.memory_space<vmem>>, vector<1x10240x128xf32>
    %get3A_8 = vector.shape_cast %get3A_7 : vector<1x10240x128xf32> to vector<10240x128xf32>
    %add3A = arith.addf %get3A_3, %get3A_8 : vector<10240x128xf32>
    %get3A_9 = arith.constant 0 : index
    %get3A_10 = arith.constant 0 : index
    %get3A_11 = arith.constant 0 : index
    %get3A_12 = vector.load %arg1[%get3A_9, %get3A_10, %get3A_11] : memref<2x10240x128xf32, #tpu.memory_space<vmem>>, vector<1x10240x128xf32>
    %get3A_13 = vector.shape_cast %get3A_12 : vector<1x10240x128xf32> to vector<10240x128xf32>
    %get3A_14 = arith.constant 1 : index
    %get3A_15 = arith.constant 0 : index
    %get3A_16 = arith.constant 0 : index
    %get3A_17 = vector.load %arg1[%get3A_14, %get3A_15, %get3A_16] : memref<2x10240x128xf32, #tpu.memory_space<vmem>>, vector<1x10240x128xf32>
    %get3A_18 = vector.shape_cast %get3A_17 : vector<1x10240x128xf32> to vector<10240x128xf32>
    %add3A_19 = arith.addf %get3A_13, %get3A_18 : vector<10240x128xf32>
    %slice3A = vector.extract_strided_slice %add3A_19 {offsets = [0, 0], sizes = [10000, 128], strides = [1, 1]} : vector<10240x128xf32> to vector<10000x128xf32>
    %slice3A_20 = vector.extract_strided_slice %add3A {offsets = [0, 0], sizes = [10000, 128], strides = [1, 1]} : vector<10240x128xf32> to vector<10000x128xf32>
    %max3A = arith.constant 1.000000e+00 : f32
    %max3A_21 = vector.broadcast %max3A : f32 to vector<10000x128xf32>
    %max3A_22 = arith.maximumf %slice3A, %max3A_21 : vector<10000x128xf32>
    %div3A = arith.divf %slice3A_20, %max3A_22 : vector<10000x128xf32>
    %get3A_23 = arith.constant 0 : index
    %get3A_24 = arith.constant 0 : index
    %get3A_25 = vector.load %arg3[%get3A_23, %get3A_24] : memref<128x128xf32, #tpu.memory_space<vmem>>, vector<128x128xf32>
    %dot_general3A = arith.constant dense<0.000000e+00> : vector<10000x128xf32>
    %dot_general3A_26 = tpu.matmul %div3A, %get3A_25, %dot_general3A {dimension_numbers = #tpu.dot_dimension_numbers<[1], [0], [0], [1], [0, 0, 1, 1], [], []>, transpose_lhs_hint = false} : vector<10000x128xf32>, vector<128x128xf32>, vector<10000x128xf32> -> vector<10000x128xf32>
    %get3A_27 = arith.constant 0 : index
    %get3A_28 = arith.constant 0 : index
    %get3A_29 = vector.load %arg4[%get3A_27, %get3A_28] : memref<1x128xf32, #tpu.memory_space<vmem>>, vector<1x128xf32>
    %add3A_30 = vector.broadcast %get3A_29 : vector<1x128xf32> to vector<10000x128xf32>
    %add3A_31 = arith.addf %dot_general3A_26, %add3A_30 : vector<10000x128xf32>
    %get3A_32 = arith.constant 0 : index
    %get3A_33 = arith.constant 0 : index
    %get3A_34 = vector.load %arg2[%get3A_32, %get3A_33] : memref<10000x128xf32, #tpu.memory_space<vmem>>, vector<10000x128xf32>
    %get3A_35 = arith.constant 0 : index
    %get3A_36 = arith.constant 0 : index
    %get3A_37 = vector.load %arg5[%get3A_35, %get3A_36] : memref<128x128xf32, #tpu.memory_space<vmem>>, vector<128x128xf32>
    %dot_general3A_38 = arith.constant dense<0.000000e+00> : vector<10000x128xf32>
    %dot_general3A_39 = tpu.matmul %get3A_34, %get3A_37, %dot_general3A_38 {dimension_numbers = #tpu.dot_dimension_numbers<[1], [0], [0], [1], [0, 0, 1, 1], [], []>, transpose_lhs_hint = false} : vector<10000x128xf32>, vector<128x128xf32>, vector<10000x128xf32> -> vector<10000x128xf32>
    %add3A_40 = arith.addf %add3A_31, %dot_general3A_39 : vector<10000x128xf32>
    %mul3A = arith.mulf %add3A_40, %add3A_40 : vector<10000x128xf32>
    %reduce_sum3A = arith.constant dense<0.000000e+00> : vector<10000xf32>
    %reduce_sum3A_41 = vector.multi_reduction <add>, %mul3A, %reduce_sum3A [1] : vector<10000x128xf32> to vector<10000xf32>
    %broadcast_in_dim3A = vector.shape_cast %reduce_sum3A_41 : vector<10000xf32> to vector<10000x1xf32>
    %sqrt3A = math.sqrt %broadcast_in_dim3A : vector<10000x1xf32>
    %max3A_42 = arith.constant 9.99999996E-13 : f32
    %max3A_43 = vector.broadcast %max3A_42 : f32 to vector<10000x1xf32>
    %max3A_44 = arith.maximumf %sqrt3A, %max3A_43 : vector<10000x1xf32>
    %div3A_45 = vector.broadcast %max3A_44 : vector<10000x1xf32> to vector<10000x128xf32>
    %div3A_46 = arith.divf %add3A_40, %div3A_45 : vector<10000x128xf32>
    %max3A_47 = arith.constant 0.000000e+00 : f32
    %max3A_48 = vector.broadcast %max3A_47 : f32 to vector<10000x128xf32>
    %max3A_49 = arith.maximumf %div3A_46, %max3A_48 : vector<10000x128xf32>
    %reduce_sum3A_50 = arith.constant dense<0.000000e+00> : vector<128xf32>
    %reduce_sum3A_51 = vector.multi_reduction <add>, %max3A_49, %reduce_sum3A_50 [0] : vector<10000x128xf32> to vector<128xf32>
    %broadcast_in_dim3A_52 = vector.shape_cast %reduce_sum3A_51 : vector<128xf32> to vector<1x128xf32>
    %div3A_53 = arith.constant 1.000000e+04 : f32
    %div3A_54 = vector.broadcast %div3A_53 : f32 to vector<1x128xf32>
    %div3A_55 = arith.divf %broadcast_in_dim3A_52, %div3A_54 : vector<1x128xf32>
    %sub3A = vector.broadcast %div3A_55 : vector<1x128xf32> to vector<10000x128xf32>
    %sub3A_56 = arith.subf %max3A_49, %sub3A : vector<10000x128xf32>
    %integer_pow3A = arith.mulf %sub3A_56, %sub3A_56 : vector<10000x128xf32>
    %reduce_sum3A_57 = arith.constant dense<0.000000e+00> : vector<128xf32>
    %reduce_sum3A_58 = vector.multi_reduction <add>, %integer_pow3A, %reduce_sum3A_57 [0] : vector<10000x128xf32> to vector<128xf32>
    %broadcast_in_dim3A_59 = vector.shape_cast %reduce_sum3A_58 : vector<128xf32> to vector<1x128xf32>
    %div3A_60 = arith.constant 1.000000e+04 : f32
    %div3A_61 = vector.broadcast %div3A_60 : f32 to vector<1x128xf32>
    %div3A_62 = arith.divf %broadcast_in_dim3A_59, %div3A_61 : vector<1x128xf32>
    %get3A_63 = arith.constant 0 : index
    %get3A_64 = arith.constant 0 : index
    %get3A_65 = vector.load %arg6[%get3A_63, %get3A_64] : memref<1x128xf32, #tpu.memory_space<vmem>>, vector<1x128xf32>
    %sub3A_66 = vector.broadcast %div3A_55 : vector<1x128xf32> to vector<10000x128xf32>
    %sub3A_67 = arith.subf %max3A_49, %sub3A_66 : vector<10000x128xf32>
    %mul3A_68 = vector.broadcast %get3A_65 : vector<1x128xf32> to vector<10000x128xf32>
    %mul3A_69 = arith.mulf %mul3A_68, %sub3A_67 : vector<10000x128xf32>
    %add3A_70 = arith.constant 9.99999974E-6 : f32
    %add3A_71 = vector.broadcast %add3A_70 : f32 to vector<1x128xf32>
    %add3A_72 = arith.addf %div3A_62, %add3A_71 : vector<1x128xf32>
    %sqrt3A_73 = math.sqrt %add3A_72 : vector<1x128xf32>
    %div3A_74 = vector.broadcast %sqrt3A_73 : vector<1x128xf32> to vector<10000x128xf32>
    %div3A_75 = arith.divf %mul3A_69, %div3A_74 : vector<10000x128xf32>
    %get3A_76 = arith.constant 0 : index
    %get3A_77 = arith.constant 0 : index
    %get3A_78 = vector.load %arg7[%get3A_76, %get3A_77] : memref<1x128xf32, #tpu.memory_space<vmem>>, vector<1x128xf32>
    %add3A_79 = vector.broadcast %get3A_78 : vector<1x128xf32> to vector<10000x128xf32>
    %add3A_80 = arith.addf %div3A_75, %add3A_79 : vector<10000x128xf32>
    %swap3A = arith.constant 0 : index
    %swap3A_81 = arith.constant 0 : index
    %swap3A_82 = vector.load %arg8[%swap3A, %swap3A_81] : memref<10000x128xf32, #tpu.memory_space<vmem>>, vector<10000x128xf32>
    tpu.vector_store %arg8[%swap3A, %swap3A_81], %add3A_80 {strides = array<i32>} : memref<10000x128xf32, #tpu.memory_space<vmem>>, vector<10000x128xf32>,
    return
  }
}

module attributes {stable_mosaic.version = 14 : i64} {
  func.func @_tc2_body(%arg0: memref<2x10240x128xf32, #tpu.memory_space<vmem>>, %arg1: memref<2x10240x128xf32, #tpu.memory_space<vmem>>, %arg2: memref<10000x128xf32, #tpu.memory_space<vmem>>, %arg3: memref<128x128xf32, #tpu.memory_space<vmem>>, %arg4: memref<1x128xf32, #tpu.memory_space<vmem>>, %arg5: memref<128x128xf32, #tpu.memory_space<vmem>>, %arg6: memref<10000x128xf32, #tpu.memory_space<vmem>>) attributes {dimension_semantics = [], scalar_prefetch = 0 : i64, scratch_operands = 0 : i64, tpu.core_type = #tpu.core_type<tc>} {
    %get3A = arith.constant 0 : index
    %get3A_0 = arith.constant 0 : index
    %get3A_1 = arith.constant 0 : index
    %get3A_2 = vector.load %arg0[%get3A, %get3A_0, %get3A_1] : memref<2x10240x128xf32, #tpu.memory_space<vmem>>, vector<1x10240x128xf32>
    %get3A_3 = vector.shape_cast %get3A_2 : vector<1x10240x128xf32> to vector<10240x128xf32>
    %get3A_4 = arith.constant 1 : index
    %get3A_5 = arith.constant 0 : index
    %get3A_6 = arith.constant 0 : index
    %get3A_7 = vector.load %arg0[%get3A_4, %get3A_5, %get3A_6] : memref<2x10240x128xf32, #tpu.memory_space<vmem>>, vector<1x10240x128xf32>
    %get3A_8 = vector.shape_cast %get3A_7 : vector<1x10240x128xf32> to vector<10240x128xf32>
    %add3A = arith.addf %get3A_3, %get3A_8 : vector<10240x128xf32>
    %get3A_9 = arith.constant 0 : index
    %get3A_10 = arith.constant 0 : index
    %get3A_11 = arith.constant 0 : index
    %get3A_12 = vector.load %arg1[%get3A_9, %get3A_10, %get3A_11] : memref<2x10240x128xf32, #tpu.memory_space<vmem>>, vector<1x10240x128xf32>
    %get3A_13 = vector.shape_cast %get3A_12 : vector<1x10240x128xf32> to vector<10240x128xf32>
    %get3A_14 = arith.constant 1 : index
    %get3A_15 = arith.constant 0 : index
    %get3A_16 = arith.constant 0 : index
    %get3A_17 = vector.load %arg1[%get3A_14, %get3A_15, %get3A_16] : memref<2x10240x128xf32, #tpu.memory_space<vmem>>, vector<1x10240x128xf32>
    %get3A_18 = vector.shape_cast %get3A_17 : vector<1x10240x128xf32> to vector<10240x128xf32>
    %add3A_19 = arith.addf %get3A_13, %get3A_18 : vector<10240x128xf32>
    %slice3A = vector.extract_strided_slice %add3A_19 {offsets = [0, 0], sizes = [10000, 128], strides = [1, 1]} : vector<10240x128xf32> to vector<10000x128xf32>
    %slice3A_20 = vector.extract_strided_slice %add3A {offsets = [0, 0], sizes = [10000, 128], strides = [1, 1]} : vector<10240x128xf32> to vector<10000x128xf32>
    %max3A = arith.constant 1.000000e+00 : f32
    %max3A_21 = vector.broadcast %max3A : f32 to vector<10000x128xf32>
    %max3A_22 = arith.maximumf %slice3A, %max3A_21 : vector<10000x128xf32>
    %div3A = arith.divf %slice3A_20, %max3A_22 : vector<10000x128xf32>
    %get3A_23 = arith.constant 0 : index
    %get3A_24 = arith.constant 0 : index
    %get3A_25 = vector.load %arg3[%get3A_23, %get3A_24] : memref<128x128xf32, #tpu.memory_space<vmem>>, vector<128x128xf32>
    %dot_general3A = arith.constant dense<0.000000e+00> : vector<10000x128xf32>
    %dot_general3A_26 = tpu.matmul %div3A, %get3A_25, %dot_general3A {dimension_numbers = #tpu.dot_dimension_numbers<[1], [0], [0], [1], [0, 0, 1, 1], [], []>, transpose_lhs_hint = false} : vector<10000x128xf32>, vector<128x128xf32>, vector<10000x128xf32> -> vector<10000x128xf32>
    %get3A_27 = arith.constant 0 : index
    %get3A_28 = arith.constant 0 : index
    %get3A_29 = vector.load %arg4[%get3A_27, %get3A_28] : memref<1x128xf32, #tpu.memory_space<vmem>>, vector<1x128xf32>
    %add3A_30 = vector.broadcast %get3A_29 : vector<1x128xf32> to vector<10000x128xf32>
    %add3A_31 = arith.addf %dot_general3A_26, %add3A_30 : vector<10000x128xf32>
    %get3A_32 = arith.constant 0 : index
    %get3A_33 = arith.constant 0 : index
    %get3A_34 = vector.load %arg2[%get3A_32, %get3A_33] : memref<10000x128xf32, #tpu.memory_space<vmem>>, vector<10000x128xf32>
    %get3A_35 = arith.constant 0 : index
    %get3A_36 = arith.constant 0 : index
    %get3A_37 = vector.load %arg5[%get3A_35, %get3A_36] : memref<128x128xf32, #tpu.memory_space<vmem>>, vector<128x128xf32>
    %dot_general3A_38 = arith.constant dense<0.000000e+00> : vector<10000x128xf32>
    %dot_general3A_39 = tpu.matmul %get3A_34, %get3A_37, %dot_general3A_38 {dimension_numbers = #tpu.dot_dimension_numbers<[1], [0], [0], [1], [0, 0, 1, 1], [], []>, transpose_lhs_hint = false} : vector<10000x128xf32>, vector<128x128xf32>, vector<10000x128xf32> -> vector<10000x128xf32>
    %add3A_40 = arith.addf %add3A_31, %dot_general3A_39 : vector<10000x128xf32>
    %mul3A = arith.mulf %add3A_40, %add3A_40 : vector<10000x128xf32>
    %reduce_sum3A = arith.constant dense<0.000000e+00> : vector<10000xf32>
    %reduce_sum3A_41 = vector.multi_reduction <add>, %mul3A, %reduce_sum3A [1] : vector<10000x128xf32> to vector<10000xf32>
    %broadcast_in_dim3A = vector.shape_cast %reduce_sum3A_41 : vector<10000xf32> to vector<10000x1xf32>
    %sqrt3A = math.sqrt %broadcast_in_dim3A : vector<10000x1xf32>
    %max3A_42 = arith.constant 9.99999996E-13 : f32
    %max3A_43 = vector.broadcast %max3A_42 : f32 to vector<10000x1xf32>
    %max3A_44 = arith.maximumf %sqrt3A, %max3A_43 : vector<10000x1xf32>
    %div3A_45 = vector.broadcast %max3A_44 : vector<10000x1xf32> to vector<10000x128xf32>
    %div3A_46 = arith.divf %add3A_40, %div3A_45 : vector<10000x128xf32>
    %swap3A = arith.constant 0 : index
    %swap3A_47 = arith.constant 0 : index
    %swap3A_48 = vector.load %arg6[%swap3A, %swap3A_47] : memref<10000x128xf32, #tpu.memory_space<vmem>>, vector<10000x128xf32>
    tpu.vector_store %arg6[%swap3A, %swap3A_47], %div3A_46 {strides = array<i32>} : memref<10000x128xf32, #tpu.memory_space<vmem>>, vector<10000x128xf32>,
    return
  }
}

</mosaic_0001>

<sc_bundles>
// kernel: kernel.6.cloned.1.call-start
scs
__scs_entry_jumppad:
0x0: {  	(pc) =	sbr.rel $0x88, $3  }
0x1: {  	(tag) =	ssettag $0x0;
	lr =	simm.s32 $0x1  }
0x2: {  	[smem:$0x3F97] =	sst lr;
	_ =	strace $0xD0000000  }
0x3: {  	_ = 	snop  }
0x4: {  	_ = 	snop  }
0x5: {  	_ = 	snop  }
0x6: {  	_ = 	snop  }
0x7: {  	_ = 	snop  }
__scs_overlays_trampoline_lowered:
0x8: {  	[smem:$0x3FA6] =	sst s0  }
0x9: {  	[smem:$0x3FA7] =	sst s1  }
0xa: {  	[smem:$0x3FA8] =	sst s2  }
0xb: {  	[smem:$0x3FA9] =	sst s3  }
0xc: {  	[smem:$0x3FAA] =	sst s4  }
0xd: {  	[smem:$0x3FAB] =	sst s5  }
0xe: {  	[smem:$0x3FAC] =	sst s6  }
0xf: {  	[smem:$0x3FAD] =	sst s7  }
0x10: {  	[smem:$0x3FAE] =	sst s8  }
0x11: {  	[smem:$0x3FAF] =	sst s9;
	s0 =	simm.s32 @!p0 $0x0  }
0x12: {  	s1 =	sld [smem:$0x3F95];
	s0 =	simm.s32 @p0 $0x1  }
0x13: {  	[smem:$0x3FB0] =	sst s0;
	s0 =	simm.s32 @!p1 $0x0  }
0x14: {  	s2 =	sld [smem:$0x3F94];
	s0 =	simm.s32 @p1 $0x1  }
0x15: {  	[smem:$0x3FB1] =	sst s0;
	s0 =	simm.s32 @!p2 $0x0  }
0x16: {  	s3 =	sld [smem:$0x3FDB];
	s0 =	simm.s32 @p2 $0x1  }
0x17: {  	s4 =	simm.s32 $0x1BF5;
	[smem:$0x3FB3] =	sst s0  }
0x18: {  	s0 =	sld [smem:$0x3F96];
	_ =	swait.ge [sflag:s4], $0x0  }
0x19: {  	s7 =	sld [smem:$0x3F97]  }
0x1a: {  	s8 =	sadd.s32 $0xFFFFE003, lr  }
0x1b: {  	s9 =	sadd.s32 $0xFFFFFEF7, lr;
	s5 =	simm.s32 $0xFFFFFFFF;
	p2 =	slt.u32 s8, $0xFFFFF086  }
0x1c: {  	p1 =	slt.u32 s9, $0xF7A;
	s5 =	simm.s32 @!p2 $0x0  }
0x1d: {  	s5 =	simm.s32 @p1 $0x1;
	p0 =	seq.s32 s7, s2  }
0x1e: {  	s7 =	smul.u32 @!p0 $0xF7A, s2;
	p2 =	seq.s32 @!p0 s5, $0x0  }
0x1f: {  	s9 =	smul.u32 $0xF7A, s1;
	s8 =	simm.s32 @!p0 $0x1BF5;
	p2 =	por !p2, p0  }
0x20: {  	[sflag:s8] =	ssyncset.s32 @!p0 $0xFFFFF086;
	s6 =	sadd.s32 @!p0 s3, s7;
	s7 =	simm.s32 @!p0 $0x108  }
0x21: {  	s3 =	sadd.s32 s3, s9;
	s6 =	sadd.s32 @!p0 $0x88, s6;
	s7 =	simm.s32 @p2 $0x1082  }
0x22: {  	[simem:s7], [sflag:s8] =	dma.local @!p0 [hbm:s6], $0xF7A  }
0x23: {  	s9 =	sor.u32 $0xD0000000, s2;
	s6 =	simm.s32 $0x108;
	_ =	swait.ge @!p0 [sflag:s8], $0x0  }
0x24: {  	s3 =	sadd.s32 $0x88, s3;
	s6 =	simm.s32 @!p1 $0x1082;
	[sflag:s4] =	ssyncset.s32 $0xFFFFF086  }
0x25: {  	[simem:s6], [sflag:s4] =	dma.local [hbm:s3], $0xF7A  }
0x26: {  	[smem:$0x3F97] =	sst s1;
	(tag) =	ssettag s2;
	_ =	strace s9  }
0x27: {  	s1 =	sld [smem:$0x3FA7]  }
0x28: {  	s2 =	sld [smem:$0x3FA8]  }
0x29: {  	s4 =	sld [smem:$0x3FAA]  }
0x2a: {  	p0 =	seq.s32 s5, $0x0;
	s5 =	sld [smem:$0x3FAB]  }
0x2b: {  	s6 =	sld [smem:$0x3FAC]  }
0x2c: {  	s7 =	sld [smem:$0x3FAD]  }
0x2d: {  	s3 =	simm.s32 $0x108;
	s8 =	sld [smem:$0x3FAE]  }
0x2e: {  	s3 =	simm.s32 @!p0 $0x1082;
	s9 =	sld [smem:$0x3FAF]  }
0x2f: {  	lr =	sadd.s32 s0, s3;
	s0 =	sld [smem:$0x3FA6]  }
0x30: {  	s3 =	sld [smem:$0x3FA9]  }
0x31: {  	[smem:$0x3FB2] =	sst s10  }
0x32: {  	s10 =	sld [smem:$0x3FB0];
	_ =	sdelay $0x3  }
0x33: {  	p0 =	seq.s32 s10, $0x1;
	s10 =	sld [smem:$0x3FB2];
	_ =	sdelay $0x3  }
0x34: {  	[smem:$0x3FB2] =	sst s10  }
0x35: {  	s10 =	sld [smem:$0x3FB1];
	_ =	sdelay $0x3  }
0x36: {  	p1 =	seq.s32 s10, $0x1;
	s10 =	sld [smem:$0x3FB2];
	_ =	sdelay $0x3  }
0x37: {  	[smem:$0x3FB2] =	sst s10  }
0x38: {  	s10 =	sld [smem:$0x3FB3]  }
0x39: {  	_ = 	snop;
	(pc) =	sbr.ind lr, $3  }
0x3a: {  	_ = 	snop  }
0x3b: {  	_ = 	snop  }
0x3c: {  	p2 =	seq.s32 s10, $0x1;
	s10 =	sld [smem:$0x3FB2]  }
0x3d: {  	_ =	shalt  }
0x3e: {  	_ =	shalt  }
0x3f: {  	_ =	shalt  }
0x40: {  	_ =	shalt  }
0x41: {  	_ =	shalt  }
0x42: {  	_ =	shalt  }
0x43: {  	_ =	shalt  }
0x44: {  	_ =	shalt  }
0x45: {  	_ =	shalt  }
0x46: {  	_ =	shalt  }
0x47: {  	_ =	shalt  }
0x48: {  	_ =	shalt  }
0x49: {  	_ =	shalt  }
0x4a: {  	_ =	shalt  }
0x4b: {  	_ =	shalt  }
0x4c: {  	_ =	shalt  }
0x4d: {  	_ =	shalt  }
0x4e: {  	_ =	shalt  }
0x4f: {  	_ =	shalt  }
0x50: {  	_ =	shalt  }
0x51: {  	_ =	shalt  }
0x52: {  	_ =	shalt  }
0x53: {  	_ =	shalt  }
0x54: {  	_ =	shalt  }
0x55: {  	_ =	shalt  }
0x56: {  	_ =	shalt  }
0x57: {  	_ =	shalt  }
0x58: {  	_ =	shalt  }
0x59: {  	_ =	shalt  }
0x5a: {  	_ =	shalt  }
0x5b: {  	_ =	shalt  }
0x5c: {  	_ =	shalt  }
0x5d: {  	_ =	shalt  }
0x5e: {  	_ =	shalt  }
0x5f: {  	_ =	shalt  }
0x60: {  	_ =	shalt  }
0x61: {  	_ =	shalt  }
0x62: {  	_ =	shalt  }
0x63: {  	_ =	shalt  }
0x64: {  	_ =	shalt  }
0x65: {  	_ =	shalt  }
0x66: {  	_ =	shalt  }
0x67: {  	_ =	shalt  }
0x68: {  	_ =	shalt  }
0x69: {  	_ =	shalt  }
0x6a: {  	_ =	shalt  }
0x6b: {  	_ =	shalt  }
0x6c: {  	_ =	shalt  }
0x6d: {  	_ =	shalt  }
0x6e: {  	_ =	shalt  }
0x6f: {  	_ =	shalt  }
0x70: {  	_ =	shalt  }
0x71: {  	_ =	shalt  }
0x72: {  	_ =	shalt  }
0x73: {  	_ =	shalt  }
0x74: {  	_ =	shalt  }
0x75: {  	_ =	shalt  }
0x76: {  	_ =	shalt  }
0x77: {  	_ =	shalt  }
0x78: {  	_ =	shalt  }
0x79: {  	_ =	shalt  }
0x7a: {  	_ =	shalt  }
0x7b: {  	_ =	shalt  }
0x7c: {  	_ =	shalt  }
0x7d: {  	_ =	shalt  }
0x7e: {  	_ =	shalt  }
0x7f: {  	_ =	shalt  }
0x80: {  	_ =	shalt  }
0x81: {  	_ =	shalt  }
0x82: {  	_ =	shalt  }
0x83: {  	_ =	shalt  }
0x84: {  	_ =	shalt  }
0x85: {  	_ =	shalt  }
0x86: {  	_ =	shalt  }
0x87: {  	_ =	shalt  }
.Lfunc_end0:
.L_simem_size_0:
called_computation_lowered:
.L_overlay_start_0:
0x88: {  	s2 =	sld [smem:$0x3FD9]  }
0x89: {  	s3 =	sld [smem:$0x3FFE];
	_ =	sdelay $0x1  }
0x8a: {  	s1 =	srdreg.scid  }
0x8b: {  	s0 =	sand.u32 $0x1, s1  }
0x8c: {  	s17 =	sshll.u32 s0, $0xA;
	s2 =	sadd.s32 s3, s2  }
0x8d: {  	s2 =	sadd.s32 s2, s17  }
0x8e: {  	[smem:$0x3FBE] =	sst s2  }
0x8f: {  	_ = 	snop  }
0x90: {  	s2 =	sld [smem:$0x3FC9]  }
0x91: {  	s18 =	sld [smem:$0x3FD0];
	(tm) =	ssettm $0x1  }
0x92: {  	s4 =	sld [smem:$0x3FFB];
	_ =	sdelay $0x3  }
0x93: {  	_ =	strace s4  }
0x94: {  	s4 =	sld [smem:$0x3FFC];
	_ =	sdelay $0x3  }
0x95: {  	_ =	strace s4  }
0x96: {  	s4 =	sld [smem:$0x3FFD];
	_ =	sdelay $0x3  }
0x97: {  	_ =	strace s4  }
0x98: {  	_ =	strace $0x8FFFFFFF  }
0x99: {  	s19 =	sld [smem:$0x3FDB];
	_ =	sdelay $0x1  }
0x9a: {  	s5 =	simm.s32 $_scs_section_size  }
0x9b: {  	s6 =	simm.s32 $_size__tile_overlayer_lowered;
	s7 =	simm.s32 $_tile_overlayer_lowered  }
0x9c: {  	s22 =	simm.s32 $0x1BFF;
	s21 =	sshll.u32 s7, $0x1;
	s4 =	sadd.s32 s5, s19  }
0x9d: {  	s8 =	simm.s32 $0x0;
	s20 =	sshll.u32 s6, $0x1;
	s6 =	sadd.s32 s21, s4  }
0x9e: {  	[timem:s8], [sflag:s22] =	dma.local [hbm:s6], s20  }
0x9f: {  	_ =	swait.ge [sflag:s22], s20  }
0xa0: {  	s5 =	ssub.s32 $0x0, s20;
	[sflag:s22] =	ssyncset.done $0x0  }
0xa1: {  	[sflag:s22] =	ssyncadd.s32 s5;
	_ =	sdelay $0x1  }
0xa2: {  	s23 =	simm.s32 $0x1B8B  }
0xa3: {  	_ =	swait.ge [sflag:s23], $0x1  }
0xa4: {  	[sflag:s23] =	ssyncset.done $0x0  }
0xa5: {  	s25 =	simm.s32 $0x1B8E;
	s24 =	sld [smem:$0x3FFE];
	[sflag:s23] =	ssyncadd.s32 $0xFFFFFFFF  }
0xa6: {  	s26 =	simm.s32 $execute0_lowered;
	[smem:$0x3FD2] =	sst s25  }
0xa7: {  	s6 =	sshll.u32 s26, $0x1;
	_ =	strace $0x80000046;
	[dreg:$0x1] =	wrdreg $0xFFFFFFFF  }
0xa8: {  	s28 =	simm.s32 $_size_execute0_lowered;
	s4 =	sadd.s32 s4, s6;
	[dreg:$0x0] =	wrdreg $0x0  }
0xa9: {  	s6 =	sshll.u32 s28, $0x1;
	[dreg:$0x2] =	wrdreg s4  }
0xaa: {  	[dreg:$0x3] =	wrdreg s6  }
0xab: {  	[dreg:$0x4] =	wrdreg $0xC0  }
0xac: {  	_ =	task [dreg:s8], $0x5FFFF  }
0xad: {  	[dreg:$0x1] =	wrdreg $0xFFFFFFFF  }
0xae: {  	[dreg:$0x0] =	wrdreg $0x60  }
0xaf: {  	[dreg:$0x2] =	wrdreg s24  }
0xb0: {  	[dreg:$0x3] =	wrdreg s2  }
0xb1: {  	[dreg:$0x4] =	wrdreg s18  }
0xb2: {  	[dreg:$0x5] =	wrdreg $0xB7800  }
0xb3: {  	[dreg:$0x6] =	wrdreg $0x9  }
0xb4: {  	_ =	task.clear_ibuf [dreg:s8], $0x7FFFF;
	_ =	strace $0x90000046  }
0xb5: {  	s29 =	simm.s32 $0x9;
	_ =	strace $0x80000048  }
0xb6: {  	_ =	swait.ge [sflag:s29], $0x1  }
0xb7: {  	[sflag:s29] =	ssyncadd.s32 $0xFFFFFFFF  }
0xb8: {  	_ =	strace $0x90000048  }
0xb9: {  	_ =	sfence  }
0xba: {  	s30 =	sld [smem:$0x0];
	_ =	sdelay $0x2  }
0xbb: {  	s31 =	sshll.u32 s1, $0xD;
	s1 =	sshrl.u32 s1, $0x2  }
0xbc: {  	s3 =	sand.u32 $0x4000, s31;
	s1 =	sadd.s32 s1, s30  }
0xbd: {  	s0 =	sor.u32 s3, s0;
	s1 =	sshll.u32 s1, $0x11  }
0xbe: {  	s0 =	sor.u32 s1, s0  }
0xbf: {  	s0 =	sadd.s32 $0x8F2B, s0  }
0xc0: {  	[sflag:s0] =	ssyncadd.remote.s32 $0x1  }
0xc1: {  	_ =	sfence.sel $0xFFFF  }
0xc2: {  	[dreg:$0x0] =	wrdreg $0xFFFFFFFF;
	(pc) =	sbr.abs _section_cstart, $3  }
0xc3: {  	[dreg:$0x1] =	wrdreg $0xFFFFFFFF  }
0xc4: {  	_ =	task.clear_ibuf [dreg:s8], $0x2FFFF;
	_ =	strace $0x9FFFFFFF  }
0xc5: {  	(tm) =	ssettm $0x7FFFFFFF  }
tec
execute0_lowered:
.L_overlay_start_1:
0x0: {  	(tag) =	ssettag $0x1  }
0x1: {  	s8 =	rddreg [dreg:$0x0]  }
0x2: {  	s1 =	rddreg [dreg:$0x1]  }
0x3: {  	s0 =	srdreg.scid;
	s3 =	rddreg [dreg:$0x2]  }
0x4: {  	s26 =	stileid.u32;
	s4 =	rddreg [dreg:$0x3];
	s14 =	simm.s32 $0x3  }
0x5: {  	s15 =	simm.s32 $0x50;
	s16 =	simm.s32 $0x6780;
	s17 =	simm.s32 $0x8F80  }
0x6: {  	s20 =	simm.s32 $0x2780;
	s21 =	simm.s32 $0x1;
	s22 =	simm.s32 $0x2  }
0x7: {  	s23 =	simm.s32 $0x6480;
	s24 =	simm.s32 $0x26C0;
	s25 =	simm.s32 $0x6500  }
0x8: {  	s28 =	simm.s32 $0x0;
	s7 =	sand.u32 $0x1, s0;
	s11 =	smul.u32 $0x14000, s26  }
0x9: {  	s5 =	sshll.u32 s26, $0x7;
	s30 =	smul.u32 $0x50000, s26;
	s18 =	sshll.u32 s26, $0x6  }
0xa: {  	s2 =	sshll.u32 s7, $0x4;
	s10 =	sand.u32 $0x380, s5;
	s5 =	simm.s32 $0x0  }
0xb: {  	s29 =	smul.u32 $0x140000, s7;
	s7 =	ssub.s32 $0x2, s7;
	s6 =	sor.u32 s26, s2  }
0xc: {  	s18 =	sor.u32 $0x1C03, s18;
	[smem:$0x7FF] =	sst s5;
	s2 =	sshrl.u32 s6, $0x3  }
0xd: {  	s31 =	sshrl.u32 s7, $0x1;
	s26 =	simm.s32 $0x6580;
	s9 =	smul.u32 $0x13C00, s2  }
0xe: {  	_ =	strace $0x80000047;
	s6 =	sshll.u32 s6, $0xB;
	s13 =	ssub.s32 s7, s31  }
0xf: {  	s12 =	sadd.s32 s6, s8;
	s6 =	sadd.s32 $0x1C200, s8;
	s9 =	sor.u32 s10, s9  }
0x10: {  	s10 =	sadd.s32 s11, s29;
	s11 =	sshrl.u32 s30, $0x2;
	s9 =	sshrl.u32 s9, $0x3  }
0x11: {  	s10 =	sshrl.u32 s10, $0x3;
	s19 =	sadd.s32 s11, s4;
	s11 =	smax.u32 s13, $0x1  }
0x12: {  	s13 =	simm.s32 $0x400;
	s9 =	sadd.s32 s9, s8;
	s10 =	sadd.s32 s10, s8  }
0x13: {  	s8 =	sadd.s32 $0x2400, s12;
	s12 =	simm.s32 $0x80;
	s19 =	sshrl.u32 s19, $0x3  }
0x14: {  	s7 =	sadd.s32 $0x12400, s9;
	s9 =	sadd.s32 $0x1EA00, s10;
	s10 =	sadd.s32 $0x6EA00, s10  }
.LBB2_1:
0x15: {  	[tilespmem:s5], [sflag:$0x3] =	stream.strided.gather [hbm4b:s7+s12], $0x2780, s13, s12, $0x38;
	[tilespmem:$0x1F780] =	vst v63  }
0x16: {  	_ =	swait.ge [sflag:s14], $0x2780  }
0x17: {  	[sflag:s14] =	ssyncset.done $0x0  }
0x18: {  	[sflag:s14] =	ssyncadd.s32 $0xFFFFD880  }
0x19: {  	[tilespmem:s16], [sflag:$0x1] =	stream.indirect.gather [hbm4b:s1+s15], $0x80, s5, s15, $0xb8;
	[tilespmem:$0x1F780] =	vst v63  }
0x1a: {  	_ = 	snop  }
0x1b: {  	[tilespmem:s17], [sflag:$0x2] =	stream.indirect.gather [hbm4b:s1+s15], $0x80, s15, s15, $0xb8;
	[tilespmem:$0x1F780] =	vst v63  }
0x1c: {  	[spmem:s19], [sflag:s18] =	dma.local [hbm:s6], $0x2800  }
0x1d: {  	_ =	swait.ge [sflag:s14], $0x2800  }
0x1e: {  	[sflag:s14] =	ssyncset.done $0x0  }
0x1f: {  	[sflag:s14] =	ssyncadd.s32 $0xFFFFD800  }
0x20: {  	[tilespmem:s20], [sflag:$0x3] =	stream.linear.gather [hbm4b:s8+s5], $0x3E80, $0x38;
	[tilespmem:$0x1F780] =	vst v63  }
0x21: {  	_ =	swait.ge [sflag:s14], $0x3E80  }
0x22: {  	[sflag:s14] =	ssyncset.done $0x0  }
0x23: {  	[sflag:s14] =	ssyncadd.s32 $0xFFFFC180  }
0x24: {  	[bflag:$0x0] =	sbarrier.arrive $0xFFFF  }
0x25: {  	_ =	swait.ge [sflag:s21], $0x2800  }
0x26: {  	[sflag:s21] =	ssyncset.done $0x0  }
0x27: {  	s29 =	simm.s32 $0x2780;
	[sflag:s21] =	ssyncadd.s32 $0xFFFFD800  }
0x28: {  	[spmem:s4] =	stream.indirect.scatter.add.f32 [tilespmem:s16], [sflag:$0x3], $0x80, s29, s15, $0xb8;
	[tilespmem:$0x1F780] =	vst v63  }
0x29: {  	_ =	swait.ge [sflag:s14], $0x2800  }
0x2a: {  	[sflag:s14] =	ssyncset.done $0x0  }
0x2b: {  	s29 =	simm.s32 $0xA0;
	[sflag:s14] =	ssyncadd.s32 $0xFFFFD800  }
0x2c: {  	[tilespmem:s16], [sflag:$0x1] =	stream.indirect.gather [hbm4b:s1+s15], $0x80, s29, s15, $0xb8;
	[tilespmem:$0x1F780] =	vst v63  }
0x2d: {  	_ =	swait.ge [sflag:s22], $0x2800  }
0x2e: {  	[sflag:s22] =	ssyncset.done $0x0  }
0x2f: {  	s29 =	simm.s32 $0x2800;
	[sflag:s22] =	ssyncadd.s32 $0xFFFFD800  }
0x30: {  	[spmem:s4] =	stream.indirect.scatter.add.f32 [tilespmem:s17], [sflag:$0x3], $0x80, s29, s15, $0xb8;
	[tilespmem:$0x1F780] =	vst v63  }
0x31: {  	_ =	swait.ge [sflag:s14], $0x2800  }
0x32: {  	s30 =	simm.s32 $0x400;
	[sflag:s14] =	ssyncset.done $0x0  }
0x33: {  	s31 =	simm.s32 $0x190;
	s29 =	simm.s32 $0xF0;
	[sflag:s14] =	ssyncadd.s32 $0xFFFFD800  }
.LBB2_2:
0x34: {  	[tilespmem:s17], [sflag:$0x2] =	stream.indirect.gather [hbm4b:s1+s15], $0x80, s29, s15, $0xb8;
	[tilespmem:$0x1F780] =	vst v63  }
0x35: {  	s2 =	smov.u32 s30;
	s29 =	smov.u32 s31  }
0x36: {  	p0 =	sne.s32 s30, $0xF000;
	s30 =	sadd.s32 $0x400, s30;
	_ =	swait.ge [sflag:s21], $0x2800  }
0x37: {  	s2 =	sshra.s32 s2, $0x2;
	[sflag:s21] =	ssyncset.done $0x0  }
0x38: {  	s0 =	sadd.s32 $0x2780, s2;
	[sflag:s21] =	ssyncadd.s32 $0xFFFFD800  }
0x39: {  	[spmem:s4] =	stream.indirect.scatter.add.f32 [tilespmem:s16], [sflag:$0x3], $0x80, s0, s15, $0xb8;
	[tilespmem:$0x1F780] =	vst v63  }
0x3a: {  	_ =	swait.ge [sflag:s14], $0x2800  }
0x3b: {  	[sflag:s14] =	ssyncset.done $0x0  }
0x3c: {  	s0 =	sadd.s32 $0xFFFFFFB0, s31;
	[sflag:s14] =	ssyncadd.s32 $0xFFFFD800  }
0x3d: {  	[tilespmem:s16], [sflag:$0x1] =	stream.indirect.gather [hbm4b:s1+s15], $0x80, s0, s15, $0xb8;
	[tilespmem:$0x1F780] =	vst v63  }
0x3e: {  	_ =	swait.ge [sflag:s22], $0x2800  }
0x3f: {  	[sflag:s22] =	ssyncset.done $0x0  }
.Ltmp0:
0x40: {  	s0 =	sadd.s32 $0x2800, s2;
	[sflag:s22] =	ssyncadd.s32 $0xFFFFD800;
	(pc) =	sbr.rel @p0 .LBB2_2-.Ltmp0, $4  }
0x41: {  	[spmem:s4] =	stream.indirect.scatter.add.f32 [tilespmem:s17], [sflag:$0x3], $0x80, s0, s15, $0xb8;
	[tilespmem:$0x1F780] =	vst v63  }
0x42: {  	_ =	swait.ge [sflag:s14], $0x2800  }
0x43: {  	[sflag:s14] =	ssyncset.done $0x0  }
0x44: {  	s31 =	sadd.s32 $0xA0, s31;
	[sflag:s14] =	ssyncadd.s32 $0xFFFFD800  }
0x45: {  	[tilespmem:s17], [sflag:$0x2] =	stream.indirect.gather [hbm4b:s1+s15], $0x80, s29, s15, $0xb8;
	[tilespmem:$0x1F780] =	vst v63  }
0x46: {  	_ =	swait.ge [sflag:s21], $0x2800  }
0x47: {  	[sflag:s21] =	ssyncset.done $0x0  }
0x48: {  	[sflag:s21] =	ssyncadd.s32 $0xFFFFD800  }
0x49: {  	[spmem:s4] =	stream.indirect.scatter.add.f32 [tilespmem:s16], [sflag:$0x3], $0x80, s23, s15, $0xb8;
	[tilespmem:$0x1F780] =	vst v63  }
0x4a: {  	_ =	swait.ge [sflag:s14], $0x2800  }
0x4b: {  	[sflag:s14] =	ssyncset.done $0x0  }
0x4c: {  	[sflag:s14] =	ssyncadd.s32 $0xFFFFD800  }
0x4d: {  	[tilespmem:s16], [sflag:$0x1] =	stream.indirect.gather [hbm4b:s1+s15], $0x80, s24, s15, $0xb8;
	[tilespmem:$0x1F780] =	vst v63  }
0x4e: {  	_ =	swait.ge [sflag:s22], $0x2800  }
0x4f: {  	[sflag:s22] =	ssyncset.done $0x0  }
0x50: {  	[sflag:s22] =	ssyncadd.s32 $0xFFFFD800  }
0x51: {  	[spmem:s4] =	stream.indirect.scatter.add.f32 [tilespmem:s17], [sflag:$0x3], $0x80, s25, s15, $0xb8;
	[tilespmem:$0x1F780] =	vst v63  }
0x52: {  	_ =	swait.ge [sflag:s14], $0x2800  }
0x53: {  	[sflag:s14] =	ssyncset.done $0x0  }
0x54: {  	[sflag:s14] =	ssyncadd.s32 $0xFFFFD800  }
0x55: {  	_ =	swait.ge [sflag:s21], $0x2800  }
0x56: {  	[sflag:s21] =	ssyncset.done $0x0  }
0x57: {  	[sflag:s21] =	ssyncadd.s32 $0xFFFFD800  }
0x58: {  	[spmem:s4] =	stream.indirect.scatter.add.f32 [tilespmem:s16], [sflag:$0x3], $0x80, s26, s15, $0xb8;
	[tilespmem:$0x1F780] =	vst v63  }
0x59: {  	_ =	swait.ge [sflag:s14], $0x2800  }
0x5a: {  	[sflag:s14] =	ssyncset.done $0x0  }
0x5b: {  	[sflag:s14] =	ssyncadd.s32 $0xFFFFD800  }
0x5c: {  	[bflag:$0x0] =	sbarrier.arrive $0xFFFF  }
0x5d: {  	[hbm:s9], [sflag:s18] =	dma.local [spmem:s19], $0x2800  }
0x5e: {  	_ =	swait.ge [sflag:s14], $0x2800  }
0x5f: {  	[sflag:s14] =	ssyncset.done $0x0  }
0x60: {  	[sflag:s14] =	ssyncadd.s32 $0xFFFFD800  }
0x61: {  	[bflag:$0x0] =	sbarrier.arrive $0xFFFF  }
0x62: {  	[spmem:s19], [sflag:s18] =	dma.local [hbm:s6], $0x2800  }
0x63: {  	_ =	swait.ge [sflag:s14], $0x2800  }
0x64: {  	[sflag:s14] =	ssyncset.done $0x0  }
0x65: {  	s0 =	simm.s32 $0x0;
	[sflag:s14] =	ssyncadd.s32 $0xFFFFD800  }
0x66: {  	[tilespmem:s16], [sflag:$0x3] =	stream.linear.gather [hbm4b:s3+s0], $0x2800, $0x38;
	[tilespmem:$0x1F780] =	vst v63  }
0x67: {  	_ =	swait.ge [sflag:s14], $0x2800  }
0x68: {  	[sflag:s14] =	ssyncset.done $0x0  }
0x69: {  	[sflag:s14] =	ssyncadd.s32 $0xFFFFD800  }
0x6a: {  	s31 =	simm.s32 $0x2780;
	[bflag:$0x0] =	sbarrier.arrive $0xFFFF  }
0x6b: {  	[spmem:s4] =	stream.indirect.scatter.add.f32 [tilespmem:s16], [sflag:$0x3], $0x80, s31, s15, $0xb8;
	[tilespmem:$0x1F780] =	vst v63  }
0x6c: {  	s29 =	simm.s32 $0x200;
	_ =	swait.ge [sflag:s14], $0x2800  }
.LBB2_4:
0x6d: {  	s0 =	sshra.s32 s29, $0x2;
	[sflag:s14] =	ssyncset.done $0x0;
	p0 =	sne.s32 s29, $0xF800  }
.Ltmp1:
0x6e: {  	s0 =	sadd.s32 $0x2780, s0;
	[sflag:s14] =	ssyncadd.s32 $0xFFFFD800;
	(pc) =	sbr.rel @p0 .LBB2_4-.Ltmp1, $3  }
0x6f: {  	[spmem:s4] =	stream.indirect.scatter.add.f32 [tilespmem:s16], [sflag:$0x3], $0x80, s0, s15, $0xb8;
	[tilespmem:$0x1F780] =	vst v63  }
0x70: {  	s29 =	sadd.s32 $0x200, s29;
	_ =	sdelay $0x1  }
0x71: {  	_ =	swait.ge [sflag:s14], $0x2800  }
0x72: {  	[sflag:s14] =	ssyncset.done $0x0;
	s28 =	sadd.s32 $0x1, s28  }
0x73: {  	[sflag:s14] =	ssyncadd.s32 $0xFFFFD800;
	p0 =	sne.s32 s28, s11  }
.Ltmp2:
0x74: {  	[bflag:$0x0] =	sbarrier.arrive $0xFFFF;
	(pc) =	sbr.rel @p0 .LBB2_1-.Ltmp2, $4  }
0x75: {  	[hbm:s10], [sflag:s18] =	dma.local [spmem:s19], $0x2800  }
0x76: {  	_ =	swait.ge [sflag:s14], $0x2800  }
0x77: {  	[sflag:s14] =	ssyncset.done $0x0  }
0x78: {  	[sflag:s14] =	ssyncadd.s32 $0xFFFFD800  }
0x79: {  	_ =	sfence.sel $0x180000  }
0x7a: {  	[bflag:$0x0] =	sbarrier.arrive $0xFFFF  }
0x7b: {  	_ =	strace $0x90000047  }
0x7c: {  	s0 =	stileid.u32;
	[bflag:$0x2] =	sbarrier.arrive $0xFFFF  }
0x7d: {  	p0 =	sne.s32 s0, $0x0;
	s0 =	rddreg [dreg:$0x4]  }
0x7e: {  	s0 =	sadd.s32 @!p0 $0x100000, s0  }
0x7f: {  	[sflag:s0] =	ssyncadd.tile.s32 @!p0 $0x1;
	_ =	shalt  }
.Lfunc_end2:
_tile_overlayer_lowered:
.L_overlay_start_2:
0x80: {  	(tag) =	ssettag $0x2  }
0x81: {  	s0 =	rddreg [dreg:$0x0];
	s2 =	stileid.u32  }
0x82: {  	s1 =	rddreg [dreg:$0x1];
	p0 =	sne.s32 s2, $0x0  }
0x83: {  	s3 =	rddreg [dreg:$0x2];
	[bflag:$0x3] =	sbarrier.arrive $0xFFFF;
	s2 =	simm.s32 @!p0 $0x1C03  }
0x84: {  	[timem:s3], [sflag:s2] =	dma.local @!p0 [hbm:s0], s1  }
0x85: {  	s0 =	simm.s32 @!p0 $0x3  }
0x86: {  	_ =	swait.ge @!p0 [sflag:s0], s1  }
0x87: {  	s1 =	ssub.s32 @!p0 $0x0, s1;
	[sflag:s0] =	ssyncset.done @!p0 $0x0  }
0x88: {  	[sflag:s0] =	ssyncadd.s32 @!p0 s1  }
0x89: {  	[bflag:$0x3] =	sbarrier.arrive $0xFFFF  }
0x8a: {  	_ =	shalt  }

// kernel: kernel.9.cloned.1.call-start
scs
__scs_entry_jumppad:
0x0: {  	(pc) =	sbr.rel $0x88, $3  }
0x1: {  	(tag) =	ssettag $0x0;
	lr =	simm.s32 $0x1  }
0x2: {  	[smem:$0x3F97] =	sst lr;
	_ =	strace $0xD0000000  }
0x3: {  	_ = 	snop  }
0x4: {  	_ = 	snop  }
0x5: {  	_ = 	snop  }
0x6: {  	_ = 	snop  }
0x7: {  	_ = 	snop  }
__scs_overlays_trampoline_lowered:
0x8: {  	[smem:$0x3FA6] =	sst s0  }
0x9: {  	[smem:$0x3FA7] =	sst s1  }
0xa: {  	[smem:$0x3FA8] =	sst s2  }
0xb: {  	[smem:$0x3FA9] =	sst s3  }
0xc: {  	[smem:$0x3FAA] =	sst s4  }
0xd: {  	[smem:$0x3FAB] =	sst s5  }
0xe: {  	[smem:$0x3FAC] =	sst s6  }
0xf: {  	[smem:$0x3FAD] =	sst s7  }
0x10: {  	[smem:$0x3FAE] =	sst s8  }
0x11: {  	[smem:$0x3FAF] =	sst s9;
	s0 =	simm.s32 @!p0 $0x0  }
0x12: {  	s1 =	sld [smem:$0x3F95];
	s0 =	simm.s32 @p0 $0x1  }
0x13: {  	[smem:$0x3FB0] =	sst s0;
	s0 =	simm.s32 @!p1 $0x0  }
0x14: {  	s2 =	sld [smem:$0x3F94];
	s0 =	simm.s32 @p1 $0x1  }
0x15: {  	[smem:$0x3FB1] =	sst s0;
	s0 =	simm.s32 @!p2 $0x0  }
0x16: {  	s3 =	sld [smem:$0x3FDB];
	s0 =	simm.s32 @p2 $0x1  }
0x17: {  	s4 =	simm.s32 $0x1BF5;
	[smem:$0x3FB3] =	sst s0  }
0x18: {  	s0 =	sld [smem:$0x3F96];
	_ =	swait.ge [sflag:s4], $0x0  }
0x19: {  	s7 =	sld [smem:$0x3F97]  }
0x1a: {  	s8 =	sadd.s32 $0xFFFFE003, lr  }
0x1b: {  	s9 =	sadd.s32 $0xFFFFFEF7, lr;
	s5 =	simm.s32 $0xFFFFFFFF;
	p2 =	slt.u32 s8, $0xFFFFF086  }
0x1c: {  	p1 =	slt.u32 s9, $0xF7A;
	s5 =	simm.s32 @!p2 $0x0  }
0x1d: {  	s5 =	simm.s32 @p1 $0x1;
	p0 =	seq.s32 s7, s2  }
0x1e: {  	s7 =	smul.u32 @!p0 $0xF7A, s2;
	p2 =	seq.s32 @!p0 s5, $0x0  }
0x1f: {  	s9 =	smul.u32 $0xF7A, s1;
	s8 =	simm.s32 @!p0 $0x1BF5;
	p2 =	por !p2, p0  }
0x20: {  	[sflag:s8] =	ssyncset.s32 @!p0 $0xFFFFF086;
	s6 =	sadd.s32 @!p0 s3, s7;
	s7 =	simm.s32 @!p0 $0x108  }
0x21: {  	s3 =	sadd.s32 s3, s9;
	s6 =	sadd.s32 @!p0 $0x88, s6;
	s7 =	simm.s32 @p2 $0x1082  }
0x22: {  	[simem:s7], [sflag:s8] =	dma.local @!p0 [hbm:s6], $0xF7A  }
0x23: {  	s9 =	sor.u32 $0xD0000000, s2;
	s6 =	simm.s32 $0x108;
	_ =	swait.ge @!p0 [sflag:s8], $0x0  }
0x24: {  	s3 =	sadd.s32 $0x88, s3;
	s6 =	simm.s32 @!p1 $0x1082;
	[sflag:s4] =	ssyncset.s32 $0xFFFFF086  }
0x25: {  	[simem:s6], [sflag:s4] =	dma.local [hbm:s3], $0xF7A  }
0x26: {  	[smem:$0x3F97] =	sst s1;
	(tag) =	ssettag s2;
	_ =	strace s9  }
0x27: {  	s1 =	sld [smem:$0x3FA7]  }
0x28: {  	s2 =	sld [smem:$0x3FA8]  }
0x29: {  	s4 =	sld [smem:$0x3FAA]  }
0x2a: {  	p0 =	seq.s32 s5, $0x0;
	s5 =	sld [smem:$0x3FAB]  }
0x2b: {  	s6 =	sld [smem:$0x3FAC]  }
0x2c: {  	s7 =	sld [smem:$0x3FAD]  }
0x2d: {  	s3 =	simm.s32 $0x108;
	s8 =	sld [smem:$0x3FAE]  }
0x2e: {  	s3 =	simm.s32 @!p0 $0x1082;
	s9 =	sld [smem:$0x3FAF]  }
0x2f: {  	lr =	sadd.s32 s0, s3;
	s0 =	sld [smem:$0x3FA6]  }
0x30: {  	s3 =	sld [smem:$0x3FA9]  }
0x31: {  	[smem:$0x3FB2] =	sst s10  }
0x32: {  	s10 =	sld [smem:$0x3FB0];
	_ =	sdelay $0x3  }
0x33: {  	p0 =	seq.s32 s10, $0x1;
	s10 =	sld [smem:$0x3FB2];
	_ =	sdelay $0x3  }
0x34: {  	[smem:$0x3FB2] =	sst s10  }
0x35: {  	s10 =	sld [smem:$0x3FB1];
	_ =	sdelay $0x3  }
0x36: {  	p1 =	seq.s32 s10, $0x1;
	s10 =	sld [smem:$0x3FB2];
	_ =	sdelay $0x3  }
0x37: {  	[smem:$0x3FB2] =	sst s10  }
0x38: {  	s10 =	sld [smem:$0x3FB3]  }
0x39: {  	_ = 	snop;
	(pc) =	sbr.ind lr, $3  }
0x3a: {  	_ = 	snop  }
0x3b: {  	_ = 	snop  }
0x3c: {  	p2 =	seq.s32 s10, $0x1;
	s10 =	sld [smem:$0x3FB2]  }
0x3d: {  	_ =	shalt  }
0x3e: {  	_ =	shalt  }
0x3f: {  	_ =	shalt  }
0x40: {  	_ =	shalt  }
0x41: {  	_ =	shalt  }
0x42: {  	_ =	shalt  }
0x43: {  	_ =	shalt  }
0x44: {  	_ =	shalt  }
0x45: {  	_ =	shalt  }
0x46: {  	_ =	shalt  }
0x47: {  	_ =	shalt  }
0x48: {  	_ =	shalt  }
0x49: {  	_ =	shalt  }
0x4a: {  	_ =	shalt  }
0x4b: {  	_ =	shalt  }
0x4c: {  	_ =	shalt  }
0x4d: {  	_ =	shalt  }
0x4e: {  	_ =	shalt  }
0x4f: {  	_ =	shalt  }
0x50: {  	_ =	shalt  }
0x51: {  	_ =	shalt  }
0x52: {  	_ =	shalt  }
0x53: {  	_ =	shalt  }
0x54: {  	_ =	shalt  }
0x55: {  	_ =	shalt  }
0x56: {  	_ =	shalt  }
0x57: {  	_ =	shalt  }
0x58: {  	_ =	shalt  }
0x59: {  	_ =	shalt  }
0x5a: {  	_ =	shalt  }
0x5b: {  	_ =	shalt  }
0x5c: {  	_ =	shalt  }
0x5d: {  	_ =	shalt  }
0x5e: {  	_ =	shalt  }
0x5f: {  	_ =	shalt  }
0x60: {  	_ =	shalt  }
0x61: {  	_ =	shalt  }
0x62: {  	_ =	shalt  }
0x63: {  	_ =	shalt  }
0x64: {  	_ =	shalt  }
0x65: {  	_ =	shalt  }
0x66: {  	_ =	shalt  }
0x67: {  	_ =	shalt  }
0x68: {  	_ =	shalt  }
0x69: {  	_ =	shalt  }
0x6a: {  	_ =	shalt  }
0x6b: {  	_ =	shalt  }
0x6c: {  	_ =	shalt  }
0x6d: {  	_ =	shalt  }
0x6e: {  	_ =	shalt  }
0x6f: {  	_ =	shalt  }
0x70: {  	_ =	shalt  }
0x71: {  	_ =	shalt  }
0x72: {  	_ =	shalt  }
0x73: {  	_ =	shalt  }
0x74: {  	_ =	shalt  }
0x75: {  	_ =	shalt  }
0x76: {  	_ =	shalt  }
0x77: {  	_ =	shalt  }
0x78: {  	_ =	shalt  }
0x79: {  	_ =	shalt  }
0x7a: {  	_ =	shalt  }
0x7b: {  	_ =	shalt  }
0x7c: {  	_ =	shalt  }
0x7d: {  	_ =	shalt  }
0x7e: {  	_ =	shalt  }
0x7f: {  	_ =	shalt  }
0x80: {  	_ =	shalt  }
0x81: {  	_ =	shalt  }
0x82: {  	_ =	shalt  }
0x83: {  	_ =	shalt  }
0x84: {  	_ =	shalt  }
0x85: {  	_ =	shalt  }
0x86: {  	_ =	shalt  }
0x87: {  	_ =	shalt  }
.Lfunc_end0:
.L_simem_size_0:
called_computation.1_lowered:
.L_overlay_start_0:
0x88: {  	s2 =	sld [smem:$0x3FD9]  }
0x89: {  	s3 =	sld [smem:$0x3FFE];
	_ =	sdelay $0x1  }
0x8a: {  	s1 =	srdreg.scid  }
0x8b: {  	s0 =	sand.u32 $0x1, s1  }
0x8c: {  	s17 =	sshll.u32 s0, $0xA;
	s2 =	sadd.s32 s3, s2  }
0x8d: {  	s2 =	sadd.s32 s2, s17  }
0x8e: {  	[smem:$0x3FBE] =	sst s2  }
0x8f: {  	_ = 	snop  }
0x90: {  	s2 =	sld [smem:$0x3FD0];
	(tm) =	ssettm $0x1  }
0x91: {  	s18 =	sld [smem:$0x3FFB];
	_ =	sdelay $0x3  }
0x92: {  	_ =	strace s18  }
0x93: {  	s3 =	sld [smem:$0x3FFC];
	_ =	sdelay $0x3  }
0x94: {  	_ =	strace s3  }
0x95: {  	s3 =	sld [smem:$0x3FFD];
	_ =	sdelay $0x3  }
0x96: {  	_ =	strace s3  }
0x97: {  	_ =	strace $0x8FFFFFFF  }
0x98: {  	s19 =	sld [smem:$0x3FDB];
	_ =	sdelay $0x1  }
0x99: {  	s4 =	simm.s32 $_scs_section_size  }
0x9a: {  	s5 =	simm.s32 $_size__tile_overlayer_lowered;
	s6 =	simm.s32 $_tile_overlayer_lowered  }
0x9b: {  	s22 =	simm.s32 $0x1BFF;
	s21 =	sshll.u32 s6, $0x1;
	s3 =	sadd.s32 s4, s19  }
0x9c: {  	s7 =	simm.s32 $0x0;
	s20 =	sshll.u32 s5, $0x1;
	s5 =	sadd.s32 s21, s3  }
0x9d: {  	[timem:s7], [sflag:s22] =	dma.local [hbm:s5], s20  }
0x9e: {  	_ =	swait.ge [sflag:s22], s20  }
0x9f: {  	s4 =	ssub.s32 $0x0, s20;
	[sflag:s22] =	ssyncset.done $0x0  }
0xa0: {  	[sflag:s22] =	ssyncadd.s32 s4;
	_ =	sdelay $0x1  }
0xa1: {  	s23 =	simm.s32 $0x1B8B  }
0xa2: {  	_ =	swait.ge [sflag:s23], $0x1  }
0xa3: {  	[sflag:s23] =	ssyncset.done $0x0  }
0xa4: {  	s25 =	simm.s32 $0x1B8E;
	s24 =	sld [smem:$0x3FFE];
	[sflag:s23] =	ssyncadd.s32 $0xFFFFFFFF  }
0xa5: {  	s26 =	simm.s32 $execute0_lowered;
	[smem:$0x3FD2] =	sst s25  }
0xa6: {  	s5 =	sshll.u32 s26, $0x1;
	_ =	strace $0x80000049;
	[dreg:$0x1] =	wrdreg $0xFFFFFFFF  }
0xa7: {  	s28 =	simm.s32 $_size_execute0_lowered;
	s3 =	sadd.s32 s3, s5;
	[dreg:$0x0] =	wrdreg $0x0  }
0xa8: {  	s5 =	sshll.u32 s28, $0x1;
	[dreg:$0x2] =	wrdreg s3  }
0xa9: {  	[dreg:$0x3] =	wrdreg s5  }
0xaa: {  	[dreg:$0x4] =	wrdreg $0xC0  }
0xab: {  	_ =	task [dreg:s7], $0x5FFFF  }
0xac: {  	[dreg:$0x1] =	wrdreg $0xFFFFFFFF  }
0xad: {  	[dreg:$0x0] =	wrdreg $0x60  }
0xae: {  	[dreg:$0x2] =	wrdreg s24  }
0xaf: {  	[dreg:$0x3] =	wrdreg s2  }
0xb0: {  	[dreg:$0x4] =	wrdreg $0xB7800  }
0xb1: {  	[dreg:$0x5] =	wrdreg $0x9  }
0xb2: {  	_ =	task.clear_ibuf [dreg:s7], $0x6FFFF;
	_ =	strace $0x90000049  }
0xb3: {  	s29 =	simm.s32 $0x9;
	_ =	strace $0x8000004B  }
0xb4: {  	_ =	swait.ge [sflag:s29], $0x1  }
0xb5: {  	[sflag:s29] =	ssyncadd.s32 $0xFFFFFFFF  }
0xb6: {  	_ =	strace $0x9000004B  }
0xb7: {  	_ =	sfence  }
0xb8: {  	s30 =	sld [smem:$0x0];
	_ =	sdelay $0x2  }
0xb9: {  	s31 =	sshll.u32 s1, $0xD;
	s1 =	sshrl.u32 s1, $0x2  }
0xba: {  	s3 =	sand.u32 $0x4000, s31;
	s1 =	sadd.s32 s1, s30  }
0xbb: {  	s0 =	sor.u32 s3, s0;
	s1 =	sshll.u32 s1, $0x11  }
0xbc: {  	s0 =	sor.u32 s1, s0  }
0xbd: {  	s0 =	sadd.s32 $0x8F2B, s0  }
0xbe: {  	[sflag:s0] =	ssyncadd.remote.s32 $0x1  }
0xbf: {  	_ =	sfence.sel $0xFFFF  }
0xc0: {  	[dreg:$0x0] =	wrdreg $0xFFFFFFFF;
	(pc) =	sbr.abs _section_cstart, $3  }
0xc1: {  	[dreg:$0x1] =	wrdreg $0xFFFFFFFF  }
0xc2: {  	_ =	task.clear_ibuf [dreg:s7], $0x2FFFF;
	_ =	strace $0x9FFFFFFF  }
0xc3: {  	(tm) =	ssettm $0x7FFFFFFF  }
tec
execute0_lowered:
.L_overlay_start_1:
0x0: {  	(tag) =	ssettag $0x1  }
0x1: {  	s6 =	rddreg [dreg:$0x0]  }
0x2: {  	s0 =	srdreg.scid;
	s2 =	rddreg [dreg:$0x1]  }
0x3: {  	s3 =	rddreg [dreg:$0x2];
	s12 =	simm.s32 $0x3;
	s13 =	simm.s32 $0x50  }
0x4: {  	s14 =	simm.s32 $0x6780;
	s15 =	simm.s32 $0x8F80;
	s18 =	simm.s32 $0x2780  }
0x5: {  	s19 =	simm.s32 $0x1;
	s20 =	simm.s32 $0x2;
	s21 =	simm.s32 $0x6480  }
0x6: {  	s22 =	simm.s32 $0x26C0;
	s23 =	simm.s32 $0x6500;
	s5 =	sand.u32 $0x1, s0  }
0x7: {  	s24 =	simm.s32 $0x6580;
	s0 =	stileid.u32;
	s10 =	smul.u32 $0x140000, s5  }
0x8: {  	s25 =	simm.s32 $0x0;
	s1 =	sshll.u32 s5, $0x4;
	s28 =	smul.u32 $0x14000, s0  }
0x9: {  	s9 =	sshll.u32 s0, $0x7;
	s29 =	ssub.s32 $0x2, s5;
	s11 =	smul.u32 $0x50000, s0  }
0xa: {  	s5 =	sadd.s32 $0x1C200, s6;
	s16 =	sshll.u32 s0, $0x6;
	s7 =	sor.u32 s0, s1  }
0xb: {  	s1 =	rddreg [dreg:$0x3];
	s9 =	sand.u32 $0x380, s9;
	s30 =	sshrl.u32 s29, $0x1  }
0xc: {  	s16 =	sor.u32 $0x1C03, s16;
	s4 =	sshrl.u32 s7, $0x3;
	s7 =	sshll.u32 s7, $0xB  }
0xd: {  	s31 =	sshrl.u32 s11, $0x2;
	s11 =	simm.s32 $0x400;
	s8 =	smul.u32 $0x13C00, s4  }
0xe: {  	s4 =	simm.s32 $0x0;
	s7 =	sadd.s32 s7, s6;
	s17 =	sadd.s32 s31, s3  }
0xf: {  	[smem:$0x7FF] =	sst s4;
	s7 =	sadd.s32 $0x2400, s7;
	s8 =	sor.u32 s9, s8  }
0x10: {  	s17 =	sshrl.u32 s17, $0x3;
	s9 =	sadd.s32 s28, s10;
	s8 =	sshrl.u32 s8, $0x3  }
0x11: {  	_ =	strace $0x8000004A;
	s9 =	sshrl.u32 s9, $0x3;
	s8 =	sadd.s32 s8, s6  }
0x12: {  	s10 =	ssub.s32 s29, s30;
	s9 =	sadd.s32 s9, s6;
	s6 =	sadd.s32 $0x12400, s8  }
0x13: {  	s8 =	sadd.s32 $0x1EA00, s9;
	s9 =	smax.u32 s10, $0x1;
	s10 =	simm.s32 $0x80  }
.LBB2_1:
0x14: {  	[tilespmem:s4], [sflag:$0x3] =	stream.strided.gather [hbm4b:s6+s10], $0x2780, s11, s10, $0x38;
	[tilespmem:$0x1F780] =	vst v63  }
0x15: {  	_ =	swait.ge [sflag:s12], $0x2780  }
0x16: {  	[sflag:s12] =	ssyncset.done $0x0  }
0x17: {  	[sflag:s12] =	ssyncadd.s32 $0xFFFFD880  }
0x18: {  	[tilespmem:s14], [sflag:$0x1] =	stream.indirect.gather [hbm4b:s2+s13], $0x80, s4, s13, $0xb8;
	[tilespmem:$0x1F780] =	vst v63  }
0x19: {  	_ = 	snop  }
0x1a: {  	[tilespmem:s15], [sflag:$0x2] =	stream.indirect.gather [hbm4b:s2+s13], $0x80, s13, s13, $0xb8;
	[tilespmem:$0x1F780] =	vst v63  }
0x1b: {  	[spmem:s17], [sflag:s16] =	dma.local [hbm:s5], $0x2800  }
0x1c: {  	_ =	swait.ge [sflag:s12], $0x2800  }
0x1d: {  	[sflag:s12] =	ssyncset.done $0x0  }
0x1e: {  	[sflag:s12] =	ssyncadd.s32 $0xFFFFD800  }
0x1f: {  	[tilespmem:s18], [sflag:$0x3] =	stream.linear.gather [hbm4b:s7+s4], $0x3E80, $0x38;
	[tilespmem:$0x1F780] =	vst v63  }
0x20: {  	_ =	swait.ge [sflag:s12], $0x3E80  }
0x21: {  	[sflag:s12] =	ssyncset.done $0x0  }
0x22: {  	[sflag:s12] =	ssyncadd.s32 $0xFFFFC180  }
0x23: {  	[bflag:$0x0] =	sbarrier.arrive $0xFFFF  }
0x24: {  	_ =	swait.ge [sflag:s19], $0x2800  }
0x25: {  	[sflag:s19] =	ssyncset.done $0x0  }
0x26: {  	s26 =	simm.s32 $0x2780;
	[sflag:s19] =	ssyncadd.s32 $0xFFFFD800  }
0x27: {  	[spmem:s3] =	stream.indirect.scatter.add.f32 [tilespmem:s14], [sflag:$0x3], $0x80, s26, s13, $0xb8;
	[tilespmem:$0x1F780] =	vst v63  }
0x28: {  	_ =	swait.ge [sflag:s12], $0x2800  }
0x29: {  	[sflag:s12] =	ssyncset.done $0x0  }
0x2a: {  	s30 =	simm.s32 $0xA0;
	[sflag:s12] =	ssyncadd.s32 $0xFFFFD800  }
0x2b: {  	[tilespmem:s14], [sflag:$0x1] =	stream.indirect.gather [hbm4b:s2+s13], $0x80, s30, s13, $0xb8;
	[tilespmem:$0x1F780] =	vst v63  }
0x2c: {  	_ =	swait.ge [sflag:s20], $0x2800  }
0x2d: {  	[sflag:s20] =	ssyncset.done $0x0  }
0x2e: {  	s31 =	simm.s32 $0x2800;
	[sflag:s20] =	ssyncadd.s32 $0xFFFFD800  }
0x2f: {  	[spmem:s3] =	stream.indirect.scatter.add.f32 [tilespmem:s15], [sflag:$0x3], $0x80, s31, s13, $0xb8;
	[tilespmem:$0x1F780] =	vst v63  }
0x30: {  	_ =	swait.ge [sflag:s12], $0x2800  }
0x31: {  	s28 =	simm.s32 $0x400;
	[sflag:s12] =	ssyncset.done $0x0  }
0x32: {  	s29 =	simm.s32 $0x190;
	s26 =	simm.s32 $0xF0;
	[sflag:s12] =	ssyncadd.s32 $0xFFFFD800  }
.LBB2_2:
0x33: {  	[tilespmem:s15], [sflag:$0x2] =	stream.indirect.gather [hbm4b:s2+s13], $0x80, s26, s13, $0xb8;
	[tilespmem:$0x1F780] =	vst v63  }
0x34: {  	s30 =	smov.u32 s28;
	s26 =	smov.u32 s29  }
0x35: {  	p0 =	sne.s32 s28, $0xF000;
	s28 =	sadd.s32 $0x400, s28;
	_ =	swait.ge [sflag:s19], $0x2800  }
0x36: {  	s30 =	sshra.s32 s30, $0x2;
	[sflag:s19] =	ssyncset.done $0x0  }
0x37: {  	s31 =	sadd.s32 $0x2780, s30;
	[sflag:s19] =	ssyncadd.s32 $0xFFFFD800  }
0x38: {  	[spmem:s3] =	stream.indirect.scatter.add.f32 [tilespmem:s14], [sflag:$0x3], $0x80, s31, s13, $0xb8;
	[tilespmem:$0x1F780] =	vst v63  }
0x39: {  	_ =	swait.ge [sflag:s12], $0x2800  }
0x3a: {  	[sflag:s12] =	ssyncset.done $0x0  }
0x3b: {  	s31 =	sadd.s32 $0xFFFFFFB0, s29;
	[sflag:s12] =	ssyncadd.s32 $0xFFFFD800  }
0x3c: {  	[tilespmem:s14], [sflag:$0x1] =	stream.indirect.gather [hbm4b:s2+s13], $0x80, s31, s13, $0xb8;
	[tilespmem:$0x1F780] =	vst v63  }
0x3d: {  	_ =	swait.ge [sflag:s20], $0x2800  }
0x3e: {  	[sflag:s20] =	ssyncset.done $0x0  }
.Ltmp0:
0x3f: {  	s30 =	sadd.s32 $0x2800, s30;
	[sflag:s20] =	ssyncadd.s32 $0xFFFFD800;
	(pc) =	sbr.rel @p0 .LBB2_2-.Ltmp0, $4  }
0x40: {  	[spmem:s3] =	stream.indirect.scatter.add.f32 [tilespmem:s15], [sflag:$0x3], $0x80, s30, s13, $0xb8;
	[tilespmem:$0x1F780] =	vst v63  }
0x41: {  	_ =	swait.ge [sflag:s12], $0x2800  }
0x42: {  	[sflag:s12] =	ssyncset.done $0x0  }
0x43: {  	s29 =	sadd.s32 $0xA0, s29;
	[sflag:s12] =	ssyncadd.s32 $0xFFFFD800  }
0x44: {  	[tilespmem:s15], [sflag:$0x2] =	stream.indirect.gather [hbm4b:s2+s13], $0x80, s26, s13, $0xb8;
	[tilespmem:$0x1F780] =	vst v63  }
0x45: {  	_ =	swait.ge [sflag:s19], $0x2800  }
0x46: {  	[sflag:s19] =	ssyncset.done $0x0  }
0x47: {  	[sflag:s19] =	ssyncadd.s32 $0xFFFFD800  }
0x48: {  	[spmem:s3] =	stream.indirect.scatter.add.f32 [tilespmem:s14], [sflag:$0x3], $0x80, s21, s13, $0xb8;
	[tilespmem:$0x1F780] =	vst v63  }
0x49: {  	_ =	swait.ge [sflag:s12], $0x2800  }
0x4a: {  	[sflag:s12] =	ssyncset.done $0x0  }
0x4b: {  	[sflag:s12] =	ssyncadd.s32 $0xFFFFD800  }
0x4c: {  	[tilespmem:s14], [sflag:$0x1] =	stream.indirect.gather [hbm4b:s2+s13], $0x80, s22, s13, $0xb8;
	[tilespmem:$0x1F780] =	vst v63  }
0x4d: {  	_ =	swait.ge [sflag:s20], $0x2800  }
0x4e: {  	[sflag:s20] =	ssyncset.done $0x0  }
0x4f: {  	[sflag:s20] =	ssyncadd.s32 $0xFFFFD800  }
0x50: {  	[spmem:s3] =	stream.indirect.scatter.add.f32 [tilespmem:s15], [sflag:$0x3], $0x80, s23, s13, $0xb8;
	[tilespmem:$0x1F780] =	vst v63  }
0x51: {  	_ =	swait.ge [sflag:s12], $0x2800  }
0x52: {  	[sflag:s12] =	ssyncset.done $0x0  }
0x53: {  	[sflag:s12] =	ssyncadd.s32 $0xFFFFD800  }
0x54: {  	_ =	swait.ge [sflag:s19], $0x2800  }
0x55: {  	[sflag:s19] =	ssyncset.done $0x0  }
0x56: {  	[sflag:s19] =	ssyncadd.s32 $0xFFFFD800  }
0x57: {  	[spmem:s3] =	stream.indirect.scatter.add.f32 [tilespmem:s14], [sflag:$0x3], $0x80, s24, s13, $0xb8;
	[tilespmem:$0x1F780] =	vst v63  }
0x58: {  	_ =	swait.ge [sflag:s12], $0x2800  }
0x59: {  	s25 =	sadd.s32 $0x1, s25;
	[sflag:s12] =	ssyncset.done $0x0  }
0x5a: {  	p0 =	sne.s32 s25, s9;
	[sflag:s12] =	ssyncadd.s32 $0xFFFFD800  }
.Ltmp1:
0x5b: {  	[bflag:$0x0] =	sbarrier.arrive $0xFFFF;
	(pc) =	sbr.rel @p0 .LBB2_1-.Ltmp1, $4  }
0x5c: {  	[hbm:s8], [sflag:s16] =	dma.local [spmem:s17], $0x2800  }
0x5d: {  	_ =	swait.ge [sflag:s12], $0x2800  }
0x5e: {  	[sflag:s12] =	ssyncset.done $0x0  }
0x5f: {  	[sflag:s12] =	ssyncadd.s32 $0xFFFFD800  }
0x60: {  	_ =	sfence.sel $0x180000  }
0x61: {  	[bflag:$0x0] =	sbarrier.arrive $0xFFFF  }
0x62: {  	p0 =	sne.s32 s0, $0x0;
	_ =	strace $0x9000004A  }
0x63: {  	s0 =	sadd.s32 @!p0 $0x100000, s1;
	[bflag:$0x2] =	sbarrier.arrive $0xFFFF  }
0x64: {  	[sflag:s0] =	ssyncadd.tile.s32 @!p0 $0x1;
	_ =	shalt  }
.Lfunc_end2:
_tile_overlayer_lowered:
.L_overlay_start_2:
0x65: {  	(tag) =	ssettag $0x2  }
0x66: {  	s0 =	rddreg [dreg:$0x0];
	s2 =	stileid.u32  }
0x67: {  	s1 =	rddreg [dreg:$0x1];
	p0 =	sne.s32 s2, $0x0  }
0x68: {  	s3 =	rddreg [dreg:$0x2];
	[bflag:$0x3] =	sbarrier.arrive $0xFFFF;
	s2 =	simm.s32 @!p0 $0x1C03  }
0x69: {  	[timem:s3], [sflag:s2] =	dma.local @!p0 [hbm:s0], s1  }
0x6a: {  	s0 =	simm.s32 @!p0 $0x3  }
0x6b: {  	_ =	swait.ge @!p0 [sflag:s0], s1  }
0x6c: {  	s1 =	ssub.s32 @!p0 $0x0, s1;
	[sflag:s0] =	ssyncset.done @!p0 $0x0  }
0x6d: {  	[sflag:s0] =	ssyncadd.s32 @!p0 s1  }
0x6e: {  	[bflag:$0x3] =	sbarrier.arrive $0xFFFF  }
0x6f: {  	_ =	shalt  }

</sc_bundles>
